<compile_context>
chip_gen: v7x
topology: tpu7x:2x2x1
jax: 0.10.2.dev20260603
libtpu: 0.0.44.dev20260713+nightly
codegen_flags: <defaults>
</compile_context>

<pallas_src>
import functools

import jax
import jax.numpy as jnp
from jax import lax
from jax.experimental import pallas as pl
from jax.experimental.pallas import tpu as pltpu
from jax.experimental.pallas import tpu_sc as plsc

_PAD = 1
_B = 4
_S = 8192
_D = 1024
_TOT = _B * _S
_NROW = 16384

_NC = 2
_NS = 16
_NW = _NC * _NS
_PER_W = _TOT // _NW
_WPR = _S // _PER_W
_L = 16
_SEG = _PER_W // _L
_PRE = (_WPR - 1) * _PER_W
_CH = 32
_NCHUNK = _PER_W // _CH
_NBUF = 3


def _lane_prefix(x, tmp_v, lane, zeros):
    cs = x
    for k in (1, 2, 4, 8):
        tmp_v[...] = cs
        g = plsc.load_gather(tmp_v, [jnp.maximum(lane - k, 0)])
        cs = cs + jnp.where(lane >= k, g, zeros)
    return cs


def _sc_body(tokf_hbm, table_hbm, out_hbm,
             tok_v, pre_v, idx_v, tmp_v, bufs, gsem, ssem):
    ones = jnp.ones((_L,), jnp.int32)
    zeros = jnp.zeros((_L,), jnp.int32)
    lane = lax.iota(jnp.int32, _L)
    sc = lax.axis_index("c")
    sid = lax.axis_index("s")
    wid = sc * _NS + sid
    base = wid * _PER_W
    r = wid % _WPR
    row_start = base - r * _PER_W

    pltpu.sync_copy(tokf_hbm.at[pl.ds(base, _PER_W)], tok_v)
    pltpu.sync_copy(tokf_hbm.at[pl.ds(row_start, _PRE)], pre_v)

    def pre_body(i, acc):
        tv = pre_v[pl.ds(i * _L, _L)]
        return acc + jnp.where(tv != _PAD, ones, zeros)

    tt = lax.fori_loop(0, r * (_PER_W // _L), pre_body, zeros)

    def sweep1(i, acc):
        tv = plsc.load_gather(tok_v, [lane * _SEG + i])
        return acc + jnp.where(tv != _PAD, ones, zeros)

    t = lax.fori_loop(0, _SEG, sweep1, zeros)

    excl = _lane_prefix(t, tmp_v, lane, zeros) - t
    cs_tt = _lane_prefix(tt, tmp_v, lane, zeros)
    tmp_v[...] = cs_tt
    tt_total = plsc.load_gather(tmp_v, [zeros + (_L - 1)])
    start = tt_total + excl

    def sweep2(i, run):
        tv = plsc.load_gather(tok_v, [lane * _SEG + i])
        m = jnp.where(tv != _PAD, ones, zeros)
        run = run + m
        p = lane * _SEG + i
        pos = jnp.minimum(jnp.maximum(run * m + _PAD, 0), _NROW - 1)
        plsc.store_scatter(idx_v, [p >> 5, p & (_CH - 1)], pos)
        return run

    lax.fori_loop(0, _SEG, sweep2, start)

    def g_desc(ci, b):
        return pltpu.make_async_copy(
            table_hbm.at[idx_v.at[ci]], bufs.at[b], gsem.at[b])

    def s_desc(ci, b):
        return pltpu.make_async_copy(
            bufs.at[b], out_hbm.at[pl.ds(base + ci * _CH, _CH)], ssem.at[b])

    g_desc(0, 0).start()
    g_desc(1, 1).start()

    g_desc(0, 0).wait()
    s_desc(0, 0).start()
    g_desc(2, 2).start()
    for ci in (1, 2):
        b = ci % _NBUF
        b2 = (ci + 2) % _NBUF
        g_desc(ci, b).wait()
        s_desc(ci, b).start()
        s_desc(ci - 1, b2).wait()
        g_desc(ci + 2, b2).start()

    def round_body(g, carry):
        for k in range(_NBUF):
            ci = g * _NBUF + k
            b2 = (k + 2) % _NBUF
            g_desc(ci, k).wait()
            s_desc(ci, k).start()
            s_desc(ci - 1, b2).wait()
            g_desc(ci + 2, b2).start()
        return carry

    lax.fori_loop(1, (_NCHUNK - 2) // _NBUF, round_body, 0)

    for ci in (_NCHUNK - 2, _NCHUNK - 1):
        b = ci % _NBUF
        g_desc(ci, b).wait()
        s_desc(ci, b).start()
    for ci in (_NCHUNK - 3, _NCHUNK - 2, _NCHUNK - 1):
        s_desc(ci, ci % _NBUF).wait()


@functools.cache
def _sc_kernel():
    return pl.kernel(
        _sc_body,
        out_type=jax.ShapeDtypeStruct((_TOT, _D), jnp.float32),
        mesh=plsc.VectorSubcoreMesh(
            core_axis_name="c", subcore_axis_name="s",
            num_cores=_NC, num_subcores=_NS),
        compiler_params=pltpu.CompilerParams(needs_layout_passes=False),
        scratch_types=[
            pltpu.VMEM((_PER_W,), jnp.int32),
            pltpu.VMEM((_PRE,), jnp.int32),
            pltpu.VMEM((_NCHUNK, _CH), jnp.int32),
            pltpu.VMEM((_L,), jnp.int32),
            pltpu.VMEM((_NBUF, _CH, _D), jnp.float32),
            pltpu.SemaphoreType.DMA((_NBUF,)),
            pltpu.SemaphoreType.DMA((_NBUF,)),
        ],
    )


def kernel(input, weights):
    tokf = input.astype(jnp.int32).reshape(_TOT)
    flat = _sc_kernel()(tokf, weights)
    return flat.reshape(_B, _S, _D)

# --- scband reference (transcript-rebuilt; emitter-appended) ---
"""Pipeline reference for scband-sinusoidal-positional-embedding-7928509628695 (READ-ONLY COPY).

The authoritative reference and input builder live on the scoring server;
editing this copy changes nothing except your own understanding.
"""

import jax, jax.numpy as jnp
import numpy as np
import math

EMBEDDING_DIM = 1024
PADDING_IDX = 1
INIT_SIZE = 16384
BATCH = 4
SEQ_LEN = 8192


def get_embedding(num_embeddings, embedding_dim, padding_idx):
    half_dim = embedding_dim // 2
    emb_scale = math.log(10000) / (half_dim - 1)
    emb = np.exp(np.arange(half_dim, dtype=np.float32) * -emb_scale)
    emb = np.arange(num_embeddings, dtype=np.float32)[:, None] * emb[None, :]
    emb = np.concatenate([np.sin(emb), np.cos(emb)], axis=1).reshape(num_embeddings, -1)
    if embedding_dim % 2 == 1:
        emb = np.concatenate([emb, np.zeros((num_embeddings, 1), dtype=np.float32)], axis=1)
    if padding_idx is not None:
        emb[padding_idx, :] = 0.0
    return jnp.asarray(emb, dtype=jnp.float32)


def setup_inputs(seed: int = 0) -> dict:
    key = jax.random.key(seed)
    k1, _ = jax.random.split(key)
    inp = jax.random.randint(k1, (BATCH, SEQ_LEN), 0, 1000, dtype=jnp.int64 if jax.config.jax_enable_x64 else jnp.int32)
    weights = get_embedding(INIT_SIZE, EMBEDDING_DIM, PADDING_IDX)
    return {"input": inp, "weights": weights}


def make_positions(tensor, padding_idx):
    mask = (tensor != padding_idx).astype(jnp.int32)
    return (jnp.cumsum(mask, axis=1) * mask).astype(jnp.int32) + padding_idx


def reference(input, weights):
    bsz, seq_len = input.shape
    positions = make_positions(input, PADDING_IDX)
    flat = jnp.take(weights, positions.reshape(-1), axis=0)
    return flat.reshape(bsz, seq_len, -1)

if __name__ == "__main__":
    import jax
    _d = setup_inputs()
    print(jax.jit(kernel)(*tuple(_d.values())))

</pallas_src>

<mosaic_0001>
#map = affine_map<(d0, d1) -> (0)>
#map1 = affine_map<(d0, d1) -> (0, 0)>
module attributes {stable_mosaic.version = 14 : i64} {
  func.func @_sc_body(%arg0: i32, %arg1: i32, %arg2: memref<32768xi32, #tpu.memory_space<hbm>>, %arg3: memref<16384x1024xf32, #tpu.memory_space<hbm>>, %arg4: memref<32768x1024xf32, #tpu.memory_space<hbm>>, %arg5: memref<1024xi32, #tpu.memory_space<vmem>>, %arg6: memref<7168xi32, #tpu.memory_space<vmem>>, %arg7: memref<32x32xi32, #tpu.memory_space<vmem>>, %arg8: memref<16xi32, #tpu.memory_space<vmem>>, %arg9: memref<3x32x1024xf32, #tpu.memory_space<vmem>>, %arg10: memref<3x!tpu.dma_semaphore, #tpu.memory_space<semaphore_mem>>, %arg11: memref<3x!tpu.dma_semaphore, #tpu.memory_space<semaphore_mem>>) attributes {dimension_semantics = [#tpu.dimension_semantics<core_parallel>, #tpu.dimension_semantics<subcore_parallel>], iteration_bounds = array<i64: 2, 16>, scalar_prefetch = 0 : i64, scratch_operands = 7 : i64, tpu.core_type = #tpu.core_type<sc_vector_subcore>, window_params = [{transform_indices = #map}, {transform_indices = #map1}, {transform_indices = #map1}]} {
    %broadcast_in_dim3A = arith.constant 1 : i32
    %broadcast_in_dim3A_0 = vector.broadcast %broadcast_in_dim3A : i32 to vector<16xi32>
    %broadcast_in_dim3A_1 = arith.constant 0 : i32
    %broadcast_in_dim3A_2 = vector.broadcast %broadcast_in_dim3A_1 : i32 to vector<16xi32>
    %iota3A = tpu.iota {dimensions = array<i32: 0>} : vector<16xi32>
    %mul3A = arith.constant 16 : i32
    %mul3A_3 = arith.muli %arg0, %mul3A : i32
    %add3A = arith.addi %mul3A_3, %arg1 : i32
    %mul3A_4 = arith.constant 1024 : i32
    %mul3A_5 = arith.muli %add3A, %mul3A_4 : i32
    %jit3A = arith.constant 8 : i32
    %eq3A = arith.constant 0 : i32
    %eq3A_6 = arith.cmpi eq, %jit3A, %eq3A : i32
    %jit3A_7 = arith.constant 1 : i32
    %select_n3A = arith.select %eq3A_6, %jit3A_7, %jit3A : i32
    %rem3A = arith.remsi %add3A, %select_n3A : i32
    %ne3A = arith.constant 0 : i32
    %ne3A_8 = arith.cmpi ne, %rem3A, %ne3A : i32
    %lt3A = arith.constant 0 : i32
    %lt3A_9 = arith.cmpi slt, %rem3A, %lt3A : i32
    %lt3A_10 = arith.constant 0 : i32
    %lt3A_11 = arith.cmpi slt, %select_n3A, %lt3A_10 : i32
    %ne3A_12 = arith.xori %lt3A_9, %lt3A_11 : i1
    %and3A = arith.andi %ne3A_12, %ne3A_8 : i1
    %add3A_13 = arith.addi %rem3A, %select_n3A : i32
    %select_n3A_14 = arith.select %and3A, %add3A_13, %rem3A : i32
    %mul3A_15 = arith.constant 1024 : i32
    %mul3A_16 = arith.muli %select_n3A_14, %mul3A_15 : i32
    %sub3A = arith.subi %mul3A_5, %mul3A_16 : i32
    "tpu.region"() ({
      %run_scoped3A = tpu.sem_alloc : memref<!tpu.dma_semaphore, #tpu.memory_space<semaphore_mem>>
      %dma_start3A_490 = tpu.memref_slice %arg2[%mul3A_5] : memref<32768xi32, #tpu.memory_space<hbm>> -> memref<1024xi32, #tpu.memory_space<hbm>>
      %dma_start3A_491 = tpu.memref_slice %arg2[%mul3A_5] : memref<32768xi32, #tpu.memory_space<hbm>> -> memref<1024xi32, #tpu.memory_space<hbm>>
      tpu.enqueue_dma source(%dma_start3A_491 : memref<1024xi32, #tpu.memory_space<hbm>>) target(%arg5 : memref<1024xi32, #tpu.memory_space<vmem>>) target_semaphore(%run_scoped3A : memref<!tpu.dma_semaphore, #tpu.memory_space<semaphore_mem>>)
      %dma_wait3A_492 = tpu.memref_slice %arg2[%mul3A_5] : memref<32768xi32, #tpu.memory_space<hbm>> -> memref<1024xi32, #tpu.memory_space<hbm>>
      %dma_wait3A_493 = tpu.memref_slice %arg2[%mul3A_5] : memref<32768xi32, #tpu.memory_space<hbm>> -> memref<1024xi32, #tpu.memory_space<hbm>>
      tpu.wait_dma2 semaphore(%run_scoped3A : memref<!tpu.dma_semaphore, #tpu.memory_space<semaphore_mem>>) src(%dma_wait3A_493 : memref<1024xi32, #tpu.memory_space<hbm>>) dst(%arg5 : memref<1024xi32, #tpu.memory_space<vmem>>)
      tpu.yield
    }) : () -> ()
    "tpu.region"() ({
      %run_scoped3A = tpu.sem_alloc : memref<!tpu.dma_semaphore, #tpu.memory_space<semaphore_mem>>
      %dma_start3A_490 = tpu.memref_slice %arg2[%sub3A] : memref<32768xi32, #tpu.memory_space<hbm>> -> memref<7168xi32, #tpu.memory_space<hbm>>
      %dma_start3A_491 = tpu.memref_slice %arg2[%sub3A] : memref<32768xi32, #tpu.memory_space<hbm>> -> memref<7168xi32, #tpu.memory_space<hbm>>
      tpu.enqueue_dma source(%dma_start3A_491 : memref<7168xi32, #tpu.memory_space<hbm>>) target(%arg6 : memref<7168xi32, #tpu.memory_space<vmem>>) target_semaphore(%run_scoped3A : memref<!tpu.dma_semaphore, #tpu.memory_space<semaphore_mem>>)
      %dma_wait3A_492 = tpu.memref_slice %arg2[%sub3A] : memref<32768xi32, #tpu.memory_space<hbm>> -> memref<7168xi32, #tpu.memory_space<hbm>>
      %dma_wait3A_493 = tpu.memref_slice %arg2[%sub3A] : memref<32768xi32, #tpu.memory_space<hbm>> -> memref<7168xi32, #tpu.memory_space<hbm>>
      tpu.wait_dma2 semaphore(%run_scoped3A : memref<!tpu.dma_semaphore, #tpu.memory_space<semaphore_mem>>) src(%dma_wait3A_493 : memref<7168xi32, #tpu.memory_space<hbm>>) dst(%arg6 : memref<7168xi32, #tpu.memory_space<vmem>>)
      tpu.yield
    }) : () -> ()
    %mul3A_17 = arith.constant 64 : i32
    %mul3A_18 = arith.muli %select_n3A_14, %mul3A_17 : i32
    %while3A = arith.constant 0 : i32
    %while3A_19 = arith.subi %mul3A_18, %while3A : i32
    %while3A_20 = arith.addi %while3A, %while3A_19 : i32
    %while3A_21 = arith.constant 1 : i32
    %while3A_22 = arith.divsi %while3A_19, %while3A_21 : i32
    %while3A_23 = arith.muli %while3A_22, %while3A_21 : i32
    %while3A_24 = arith.addi %while3A, %while3A_23 : i32
    %while3A_25 = arith.constant 1 : i32
    %while3A_26 = scf.for %while3A_490 = %while3A to %while3A_24 step %while3A_25 iter_args(%while3A_491 = %broadcast_in_dim3A_2) -> (vector<16xi32>)  : i32 {
      %mul3A_492 = arith.constant 16 : i32
      %mul3A_493 = arith.muli %while3A_490, %mul3A_492 : i32
      %get3A = arith.index_cast %mul3A_493 : i32 to index
      %get3A_494 = tpu.vector_load %arg6[%get3A] {strides = array<i32>} : memref<7168xi32, #tpu.memory_space<vmem>>, vector<16xi32>,
      %ne3A_495 = arith.constant 1 : i32
      %ne3A_496 = vector.broadcast %ne3A_495 : i32 to vector<16xi32>
      %ne3A_497 = arith.cmpi ne, %get3A_494, %ne3A_496 : vector<16xi32>
      %select_n3A_498 = arith.select %ne3A_497, %broadcast_in_dim3A_0, %broadcast_in_dim3A_2 : vector<16xi1>, vector<16xi32>
      %add3A_499 = arith.addi %while3A_491, %select_n3A_498 : vector<16xi32>
      scf.yield %add3A_499 : vector<16xi32>
    }
    %while3A_27 = arith.constant 1 : i32
    %while3A_28 = scf.for %while3A_490 = %while3A_24 to %while3A_20 step %while3A_27 iter_args(%while3A_491 = %while3A_26) -> (vector<16xi32>)  : i32 {
      %mul3A_492 = arith.constant 16 : i32
      %mul3A_493 = arith.muli %while3A_490, %mul3A_492 : i32
      %get3A = arith.index_cast %mul3A_493 : i32 to index
      %get3A_494 = tpu.vector_load %arg6[%get3A] {strides = array<i32>} : memref<7168xi32, #tpu.memory_space<vmem>>, vector<16xi32>,
      %ne3A_495 = arith.constant 1 : i32
      %ne3A_496 = vector.broadcast %ne3A_495 : i32 to vector<16xi32>
      %ne3A_497 = arith.cmpi ne, %get3A_494, %ne3A_496 : vector<16xi32>
      %select_n3A_498 = arith.select %ne3A_497, %broadcast_in_dim3A_0, %broadcast_in_dim3A_2 : vector<16xi1>, vector<16xi32>
      %add3A_499 = arith.addi %while3A_491, %select_n3A_498 : vector<16xi32>
      scf.yield %add3A_499 : vector<16xi32>
    }
    %scan3A = arith.constant 0 : i32
    %scan3A_29 = arith.constant 64 : i32
    %scan3A_30 = arith.addi %scan3A, %scan3A_29 : i32
    %scan3A_31 = arith.constant 1 : i32
    %scan3A_32 = scf.for %scan3A_490 = %scan3A to %scan3A_30 step %scan3A_31 iter_args(%scan3A_491 = %broadcast_in_dim3A_2) -> (vector<16xi32>)  : i32 {
      %mul3A_492 = arith.constant 64 : i32
      %mul3A_493 = vector.broadcast %mul3A_492 : i32 to vector<16xi32>
      %mul3A_494 = arith.muli %iota3A, %mul3A_493 : vector<16xi32>
      %add3A_495 = vector.broadcast %scan3A_490 : i32 to vector<16xi32>
      %add3A_496 = arith.addi %mul3A_494, %add3A_495 : vector<16xi32>
      %gather3A_497 = tpu.vector_load_idx %arg5[%add3A_496] : memref<1024xi32, #tpu.memory_space<vmem>>[vector<16xi32>], vector<16xi32>,
      %ne3A_498 = arith.constant 1 : i32
      %ne3A_499 = vector.broadcast %ne3A_498 : i32 to vector<16xi32>
      %ne3A_500 = arith.cmpi ne, %gather3A_497, %ne3A_499 : vector<16xi32>
      %select_n3A_501 = arith.select %ne3A_500, %broadcast_in_dim3A_0, %broadcast_in_dim3A_2 : vector<16xi1>, vector<16xi32>
      %add3A_502 = arith.addi %scan3A_491, %select_n3A_501 : vector<16xi32>
      scf.yield %add3A_502 : vector<16xi32>
    }
    %scan3A_33 = arith.constant 64 : i32
    %swap3A = arith.constant 0 : index
    %swap3A_34 = tpu.vector_load %arg8[%swap3A] {strides = array<i32>} : memref<16xi32, #tpu.memory_space<vmem>>, vector<16xi32>,
    tpu.vector_store %arg8[%swap3A], %scan3A_32 {strides = array<i32>} : memref<16xi32, #tpu.memory_space<vmem>>, vector<16xi32>,
    %sub3A_35 = arith.constant 1 : i32
    %sub3A_36 = vector.broadcast %sub3A_35 : i32 to vector<16xi32>
    %sub3A_37 = arith.subi %iota3A, %sub3A_36 : vector<16xi32>
    %max3A = arith.constant 0 : i32
    %max3A_38 = vector.broadcast %max3A : i32 to vector<16xi32>
    %max3A_39 = arith.maxsi %sub3A_37, %max3A_38 : vector<16xi32>
    %gather3A = tpu.vector_load_idx %arg8[%max3A_39] : memref<16xi32, #tpu.memory_space<vmem>>[vector<16xi32>], vector<16xi32>,
    %ge3A = arith.constant 1 : i32
    %ge3A_40 = vector.broadcast %ge3A : i32 to vector<16xi32>
    %ge3A_41 = arith.cmpi sge, %iota3A, %ge3A_40 : vector<16xi32>
    %select_n3A_42 = arith.select %ge3A_41, %gather3A, %broadcast_in_dim3A_2 : vector<16xi1>, vector<16xi32>
    %add3A_43 = arith.addi %scan3A_32, %select_n3A_42 : vector<16xi32>
    %swap3A_44 = arith.constant 0 : index
    %swap3A_45 = tpu.vector_load %arg8[%swap3A_44] {strides = array<i32>} : memref<16xi32, #tpu.memory_space<vmem>>, vector<16xi32>,
    tpu.vector_store %arg8[%swap3A_44], %add3A_43 {strides = array<i32>} : memref<16xi32, #tpu.memory_space<vmem>>, vector<16xi32>,
    %sub3A_46 = arith.constant 2 : i32
    %sub3A_47 = vector.broadcast %sub3A_46 : i32 to vector<16xi32>
    %sub3A_48 = arith.subi %iota3A, %sub3A_47 : vector<16xi32>
    %max3A_49 = arith.constant 0 : i32
    %max3A_50 = vector.broadcast %max3A_49 : i32 to vector<16xi32>
    %max3A_51 = arith.maxsi %sub3A_48, %max3A_50 : vector<16xi32>
    %gather3A_52 = tpu.vector_load_idx %arg8[%max3A_51] : memref<16xi32, #tpu.memory_space<vmem>>[vector<16xi32>], vector<16xi32>,
    %ge3A_53 = arith.constant 2 : i32
    %ge3A_54 = vector.broadcast %ge3A_53 : i32 to vector<16xi32>
    %ge3A_55 = arith.cmpi sge, %iota3A, %ge3A_54 : vector<16xi32>
    %select_n3A_56 = arith.select %ge3A_55, %gather3A_52, %broadcast_in_dim3A_2 : vector<16xi1>, vector<16xi32>
    %add3A_57 = arith.addi %add3A_43, %select_n3A_56 : vector<16xi32>
    %swap3A_58 = arith.constant 0 : index
    %swap3A_59 = tpu.vector_load %arg8[%swap3A_58] {strides = array<i32>} : memref<16xi32, #tpu.memory_space<vmem>>, vector<16xi32>,
    tpu.vector_store %arg8[%swap3A_58], %add3A_57 {strides = array<i32>} : memref<16xi32, #tpu.memory_space<vmem>>, vector<16xi32>,
    %sub3A_60 = arith.constant 4 : i32
    %sub3A_61 = vector.broadcast %sub3A_60 : i32 to vector<16xi32>
    %sub3A_62 = arith.subi %iota3A, %sub3A_61 : vector<16xi32>
    %max3A_63 = arith.constant 0 : i32
    %max3A_64 = vector.broadcast %max3A_63 : i32 to vector<16xi32>
    %max3A_65 = arith.maxsi %sub3A_62, %max3A_64 : vector<16xi32>
    %gather3A_66 = tpu.vector_load_idx %arg8[%max3A_65] : memref<16xi32, #tpu.memory_space<vmem>>[vector<16xi32>], vector<16xi32>,
    %ge3A_67 = arith.constant 4 : i32
    %ge3A_68 = vector.broadcast %ge3A_67 : i32 to vector<16xi32>
    %ge3A_69 = arith.cmpi sge, %iota3A, %ge3A_68 : vector<16xi32>
    %select_n3A_70 = arith.select %ge3A_69, %gather3A_66, %broadcast_in_dim3A_2 : vector<16xi1>, vector<16xi32>
    %add3A_71 = arith.addi %add3A_57, %select_n3A_70 : vector<16xi32>
    %swap3A_72 = arith.constant 0 : index
    %swap3A_73 = tpu.vector_load %arg8[%swap3A_72] {strides = array<i32>} : memref<16xi32, #tpu.memory_space<vmem>>, vector<16xi32>,
    tpu.vector_store %arg8[%swap3A_72], %add3A_71 {strides = array<i32>} : memref<16xi32, #tpu.memory_space<vmem>>, vector<16xi32>,
    %sub3A_74 = arith.constant 8 : i32
    %sub3A_75 = vector.broadcast %sub3A_74 : i32 to vector<16xi32>
    %sub3A_76 = arith.subi %iota3A, %sub3A_75 : vector<16xi32>
    %max3A_77 = arith.constant 0 : i32
    %max3A_78 = vector.broadcast %max3A_77 : i32 to vector<16xi32>
    %max3A_79 = arith.maxsi %sub3A_76, %max3A_78 : vector<16xi32>
    %gather3A_80 = tpu.vector_load_idx %arg8[%max3A_79] : memref<16xi32, #tpu.memory_space<vmem>>[vector<16xi32>], vector<16xi32>,
    %ge3A_81 = arith.constant 8 : i32
    %ge3A_82 = vector.broadcast %ge3A_81 : i32 to vector<16xi32>
    %ge3A_83 = arith.cmpi sge, %iota3A, %ge3A_82 : vector<16xi32>
    %select_n3A_84 = arith.select %ge3A_83, %gather3A_80, %broadcast_in_dim3A_2 : vector<16xi1>, vector<16xi32>
    %add3A_85 = arith.addi %add3A_71, %select_n3A_84 : vector<16xi32>
    %sub3A_86 = arith.subi %add3A_85, %scan3A_32 : vector<16xi32>
    %swap3A_87 = arith.constant 0 : index
    %swap3A_88 = tpu.vector_load %arg8[%swap3A_87] {strides = array<i32>} : memref<16xi32, #tpu.memory_space<vmem>>, vector<16xi32>,
    tpu.vector_store %arg8[%swap3A_87], %while3A_28 {strides = array<i32>} : memref<16xi32, #tpu.memory_space<vmem>>, vector<16xi32>,
    %sub3A_89 = arith.constant 1 : i32
    %sub3A_90 = vector.broadcast %sub3A_89 : i32 to vector<16xi32>
    %sub3A_91 = arith.subi %iota3A, %sub3A_90 : vector<16xi32>
    %max3A_92 = arith.constant 0 : i32
    %max3A_93 = vector.broadcast %max3A_92 : i32 to vector<16xi32>
    %max3A_94 = arith.maxsi %sub3A_91, %max3A_93 : vector<16xi32>
    %gather3A_95 = tpu.vector_load_idx %arg8[%max3A_94] : memref<16xi32, #tpu.memory_space<vmem>>[vector<16xi32>], vector<16xi32>,
    %ge3A_96 = arith.constant 1 : i32
    %ge3A_97 = vector.broadcast %ge3A_96 : i32 to vector<16xi32>
    %ge3A_98 = arith.cmpi sge, %iota3A, %ge3A_97 : vector<16xi32>
    %select_n3A_99 = arith.select %ge3A_98, %gather3A_95, %broadcast_in_dim3A_2 : vector<16xi1>, vector<16xi32>
    %add3A_100 = arith.addi %while3A_28, %select_n3A_99 : vector<16xi32>
    %swap3A_101 = arith.constant 0 : index
    %swap3A_102 = tpu.vector_load %arg8[%swap3A_101] {strides = array<i32>} : memref<16xi32, #tpu.memory_space<vmem>>, vector<16xi32>,
    tpu.vector_store %arg8[%swap3A_101], %add3A_100 {strides = array<i32>} : memref<16xi32, #tpu.memory_space<vmem>>, vector<16xi32>,
    %sub3A_103 = arith.constant 2 : i32
    %sub3A_104 = vector.broadcast %sub3A_103 : i32 to vector<16xi32>
    %sub3A_105 = arith.subi %iota3A, %sub3A_104 : vector<16xi32>
    %max3A_106 = arith.constant 0 : i32
    %max3A_107 = vector.broadcast %max3A_106 : i32 to vector<16xi32>
    %max3A_108 = arith.maxsi %sub3A_105, %max3A_107 : vector<16xi32>
    %gather3A_109 = tpu.vector_load_idx %arg8[%max3A_108] : memref<16xi32, #tpu.memory_space<vmem>>[vector<16xi32>], vector<16xi32>,
    %ge3A_110 = arith.constant 2 : i32
    %ge3A_111 = vector.broadcast %ge3A_110 : i32 to vector<16xi32>
    %ge3A_112 = arith.cmpi sge, %iota3A, %ge3A_111 : vector<16xi32>
    %select_n3A_113 = arith.select %ge3A_112, %gather3A_109, %broadcast_in_dim3A_2 : vector<16xi1>, vector<16xi32>
    %add3A_114 = arith.addi %add3A_100, %select_n3A_113 : vector<16xi32>
    %swap3A_115 = arith.constant 0 : index
    %swap3A_116 = tpu.vector_load %arg8[%swap3A_115] {strides = array<i32>} : memref<16xi32, #tpu.memory_space<vmem>>, vector<16xi32>,
    tpu.vector_store %arg8[%swap3A_115], %add3A_114 {strides = array<i32>} : memref<16xi32, #tpu.memory_space<vmem>>, vector<16xi32>,
    %sub3A_117 = arith.constant 4 : i32
    %sub3A_118 = vector.broadcast %sub3A_117 : i32 to vector<16xi32>
    %sub3A_119 = arith.subi %iota3A, %sub3A_118 : vector<16xi32>
    %max3A_120 = arith.constant 0 : i32
    %max3A_121 = vector.broadcast %max3A_120 : i32 to vector<16xi32>
    %max3A_122 = arith.maxsi %sub3A_119, %max3A_121 : vector<16xi32>
    %gather3A_123 = tpu.vector_load_idx %arg8[%max3A_122] : memref<16xi32, #tpu.memory_space<vmem>>[vector<16xi32>], vector<16xi32>,
    %ge3A_124 = arith.constant 4 : i32
    %ge3A_125 = vector.broadcast %ge3A_124 : i32 to vector<16xi32>
    %ge3A_126 = arith.cmpi sge, %iota3A, %ge3A_125 : vector<16xi32>
    %select_n3A_127 = arith.select %ge3A_126, %gather3A_123, %broadcast_in_dim3A_2 : vector<16xi1>, vector<16xi32>
    %add3A_128 = arith.addi %add3A_114, %select_n3A_127 : vector<16xi32>
    %swap3A_129 = arith.constant 0 : index
    %swap3A_130 = tpu.vector_load %arg8[%swap3A_129] {strides = array<i32>} : memref<16xi32, #tpu.memory_space<vmem>>, vector<16xi32>,
    tpu.vector_store %arg8[%swap3A_129], %add3A_128 {strides = array<i32>} : memref<16xi32, #tpu.memory_space<vmem>>, vector<16xi32>,
    %sub3A_131 = arith.constant 8 : i32
    %sub3A_132 = vector.broadcast %sub3A_131 : i32 to vector<16xi32>
    %sub3A_133 = arith.subi %iota3A, %sub3A_132 : vector<16xi32>
    %max3A_134 = arith.constant 0 : i32
    %max3A_135 = vector.broadcast %max3A_134 : i32 to vector<16xi32>
    %max3A_136 = arith.maxsi %sub3A_133, %max3A_135 : vector<16xi32>
    %gather3A_137 = tpu.vector_load_idx %arg8[%max3A_136] : memref<16xi32, #tpu.memory_space<vmem>>[vector<16xi32>], vector<16xi32>,
    %ge3A_138 = arith.constant 8 : i32
    %ge3A_139 = vector.broadcast %ge3A_138 : i32 to vector<16xi32>
    %ge3A_140 = arith.cmpi sge, %iota3A, %ge3A_139 : vector<16xi32>
    %select_n3A_141 = arith.select %ge3A_140, %gather3A_137, %broadcast_in_dim3A_2 : vector<16xi1>, vector<16xi32>
    %add3A_142 = arith.addi %add3A_128, %select_n3A_141 : vector<16xi32>
    %swap3A_143 = arith.constant 0 : index
    %swap3A_144 = tpu.vector_load %arg8[%swap3A_143] {strides = array<i32>} : memref<16xi32, #tpu.memory_space<vmem>>, vector<16xi32>,
    tpu.vector_store %arg8[%swap3A_143], %add3A_142 {strides = array<i32>} : memref<16xi32, #tpu.memory_space<vmem>>, vector<16xi32>,
    %add3A_145 = arith.constant 15 : i32
    %add3A_146 = vector.broadcast %add3A_145 : i32 to vector<16xi32>
    %add3A_147 = arith.addi %broadcast_in_dim3A_2, %add3A_146 : vector<16xi32>
    %gather3A_148 = tpu.vector_load_idx %arg8[%add3A_147] : memref<16xi32, #tpu.memory_space<vmem>>[vector<16xi32>], vector<16xi32>,
    %add3A_149 = arith.addi %gather3A_148, %sub3A_86 : vector<16xi32>
    %scan3A_150 = arith.constant 0 : i32
    %scan3A_151 = arith.constant 64 : i32
    %scan3A_152 = arith.addi %scan3A_150, %scan3A_151 : i32
    %scan3A_153 = arith.constant 1 : i32
    %scan3A_154 = scf.for %scan3A_490 = %scan3A_150 to %scan3A_152 step %scan3A_153 iter_args(%scan3A_491 = %add3A_149) -> (vector<16xi32>)  : i32 {
      %mul3A_492 = arith.constant 64 : i32
      %mul3A_493 = vector.broadcast %mul3A_492 : i32 to vector<16xi32>
      %mul3A_494 = arith.muli %iota3A, %mul3A_493 : vector<16xi32>
      %add3A_495 = vector.broadcast %scan3A_490 : i32 to vector<16xi32>
      %add3A_496 = arith.addi %mul3A_494, %add3A_495 : vector<16xi32>
      %gather3A_497 = tpu.vector_load_idx %arg5[%add3A_496] : memref<1024xi32, #tpu.memory_space<vmem>>[vector<16xi32>], vector<16xi32>,
      %ne3A_498 = arith.constant 1 : i32
      %ne3A_499 = vector.broadcast %ne3A_498 : i32 to vector<16xi32>
      %ne3A_500 = arith.cmpi ne, %gather3A_497, %ne3A_499 : vector<16xi32>
      %select_n3A_501 = arith.select %ne3A_500, %broadcast_in_dim3A_0, %broadcast_in_dim3A_2 : vector<16xi1>, vector<16xi32>
      %add3A_502 = arith.addi %scan3A_491, %select_n3A_501 : vector<16xi32>
      %mul3A_503 = arith.constant 64 : i32
      %mul3A_504 = vector.broadcast %mul3A_503 : i32 to vector<16xi32>
      %mul3A_505 = arith.muli %iota3A, %mul3A_504 : vector<16xi32>
      %add3A_506 = vector.broadcast %scan3A_490 : i32 to vector<16xi32>
      %add3A_507 = arith.addi %mul3A_505, %add3A_506 : vector<16xi32>
      %mul3A_508 = arith.muli %add3A_502, %select_n3A_501 : vector<16xi32>
      %add3A_509 = arith.constant 1 : i32
      %add3A_510 = vector.broadcast %add3A_509 : i32 to vector<16xi32>
      %add3A_511 = arith.addi %mul3A_508, %add3A_510 : vector<16xi32>
      %max3A_512 = arith.constant 0 : i32
      %max3A_513 = vector.broadcast %max3A_512 : i32 to vector<16xi32>
      %max3A_514 = arith.maxsi %add3A_511, %max3A_513 : vector<16xi32>
      %min3A = arith.constant 16383 : i32
      %min3A_515 = vector.broadcast %min3A : i32 to vector<16xi32>
      %min3A_516 = arith.minsi %max3A_514, %min3A_515 : vector<16xi32>
      %shift_right_arithmetic3A = arith.constant 5 : i32
      %shift_right_arithmetic3A_517 = vector.broadcast %shift_right_arithmetic3A : i32 to vector<16xi32>
      %shift_right_arithmetic3A_518 = arith.shrsi %add3A_507, %shift_right_arithmetic3A_517 : vector<16xi32>
      %and3A_519 = arith.constant 31 : i32
      %and3A_520 = vector.broadcast %and3A_519 : i32 to vector<16xi32>
      %and3A_521 = arith.andi %add3A_507, %and3A_520 : vector<16xi32>
      tpu.vector_store_idx %arg7[%shift_right_arithmetic3A_518, %and3A_521], %min3A_516 : memref<32x32xi32, #tpu.memory_space<vmem>>[vector<16xi32>, vector<16xi32>], vector<16xi32>,
      scf.yield %add3A_502 : vector<16xi32>
    }
    %scan3A_155 = arith.constant 64 : i32
    %dma_start3A = arith.constant 0 : i32
    %dma_start3A_156 = arith.constant 0 : i32
    %dma_start3A_157 = arith.constant 0 : i32
    %dma_start3A_158 = arith.constant 0 : i32
    %dma_start3A_159 = arith.constant 0 : i32
    %dma_start3A_160 = tpu.memref_slice %arg9[%dma_start3A_156, %dma_start3A_158, %dma_start3A_159] : memref<3x32x1024xf32, #tpu.memory_space<vmem>> -> memref<1x32x1024xf32, #tpu.memory_space<vmem>>
    %dma_start3A_161 = tpu.memref_squeeze %dma_start3A_160 : memref<1x32x1024xf32, #tpu.memory_space<vmem>> -> memref<32x1024xf32, #tpu.memory_space<vmem>>
    %dma_start3A_162 = arith.constant 0 : i32
    %dma_start3A_163 = tpu.memref_slice %arg7[%dma_start3A, %dma_start3A_162] : memref<32x32xi32, #tpu.memory_space<vmem>> -> memref<1x32xi32, #tpu.memory_space<vmem>>
    %dma_start3A_164 = tpu.memref_squeeze %dma_start3A_163 : memref<1x32xi32, #tpu.memory_space<vmem>> -> memref<32xi32, #tpu.memory_space<vmem>>
    %dma_start3A_165 = arith.constant 0 : i32
    %dma_start3A_166 = arith.constant 0 : i32
    %dma_start3A_167 = tpu.memref_slice %arg3[%dma_start3A_165, %dma_start3A_166] : memref<16384x1024xf32, #tpu.memory_space<hbm>> -> memref<16384x1024xf32, #tpu.memory_space<hbm>>
    %dma_start3A_168 = tpu.memref_slice %arg10[%dma_start3A_157] : memref<3x!tpu.dma_semaphore, #tpu.memory_space<semaphore_mem>> -> memref<1x!tpu.dma_semaphore, #tpu.memory_space<semaphore_mem>>
    %dma_start3A_169 = tpu.memref_squeeze %dma_start3A_168 : memref<1x!tpu.dma_semaphore, #tpu.memory_space<semaphore_mem>> -> memref<!tpu.dma_semaphore, #tpu.memory_space<semaphore_mem>>
    tpu.enqueue_indirect_dma source(%dma_start3A_167 : memref<16384x1024xf32, #tpu.memory_space<hbm>>) target(%dma_start3A_161 : memref<32x1024xf32, #tpu.memory_space<vmem>>) offsets(%dma_start3A_164 : memref<32xi32, #tpu.memory_space<vmem>>) semaphore(%dma_start3A_169 : memref<!tpu.dma_semaphore, #tpu.memory_space<semaphore_mem>>)
    %dma_start3A_170 = arith.constant 1 : i32
    %dma_start3A_171 = arith.constant 1 : i32
    %dma_start3A_172 = arith.constant 1 : i32
    %dma_start3A_173 = arith.constant 0 : i32
    %dma_start3A_174 = arith.constant 0 : i32
    %dma_start3A_175 = tpu.memref_slice %arg9[%dma_start3A_171, %dma_start3A_173, %dma_start3A_174] : memref<3x32x1024xf32, #tpu.memory_space<vmem>> -> memref<1x32x1024xf32, #tpu.memory_space<vmem>>
    %dma_start3A_176 = tpu.memref_squeeze %dma_start3A_175 : memref<1x32x1024xf32, #tpu.memory_space<vmem>> -> memref<32x1024xf32, #tpu.memory_space<vmem>>
    %dma_start3A_177 = arith.constant 0 : i32
    %dma_start3A_178 = tpu.memref_slice %arg7[%dma_start3A_170, %dma_start3A_177] : memref<32x32xi32, #tpu.memory_space<vmem>> -> memref<1x32xi32, #tpu.memory_space<vmem>>
    %dma_start3A_179 = tpu.memref_squeeze %dma_start3A_178 : memref<1x32xi32, #tpu.memory_space<vmem>> -> memref<32xi32, #tpu.memory_space<vmem>>
    %dma_start3A_180 = arith.constant 0 : i32
    %dma_start3A_181 = arith.constant 0 : i32
    %dma_start3A_182 = tpu.memref_slice %arg3[%dma_start3A_180, %dma_start3A_181] : memref<16384x1024xf32, #tpu.memory_space<hbm>> -> memref<16384x1024xf32, #tpu.memory_space<hbm>>
    %dma_start3A_183 = tpu.memref_slice %arg10[%dma_start3A_172] : memref<3x!tpu.dma_semaphore, #tpu.memory_space<semaphore_mem>> -> memref<1x!tpu.dma_semaphore, #tpu.memory_space<semaphore_mem>>
    %dma_start3A_184 = tpu.memref_squeeze %dma_start3A_183 : memref<1x!tpu.dma_semaphore, #tpu.memory_space<semaphore_mem>> -> memref<!tpu.dma_semaphore, #tpu.memory_space<semaphore_mem>>
    tpu.enqueue_indirect_dma source(%dma_start3A_182 : memref<16384x1024xf32, #tpu.memory_space<hbm>>) target(%dma_start3A_176 : memref<32x1024xf32, #tpu.memory_space<vmem>>) offsets(%dma_start3A_179 : memref<32xi32, #tpu.memory_space<vmem>>) semaphore(%dma_start3A_184 : memref<!tpu.dma_semaphore, #tpu.memory_space<semaphore_mem>>)
    %dma_wait3A = arith.constant 0 : i32
    %dma_wait3A_185 = arith.constant 0 : i32
    %dma_wait3A_186 = arith.constant 0 : i32
    %dma_wait3A_187 = arith.constant 0 : i32
    %dma_wait3A_188 = arith.constant 0 : i32
    %dma_wait3A_189 = tpu.memref_slice %arg9[%dma_wait3A_185, %dma_wait3A_187, %dma_wait3A_188] : memref<3x32x1024xf32, #tpu.memory_space<vmem>> -> memref<1x32x1024xf32, #tpu.memory_space<vmem>>
    %dma_wait3A_190 = tpu.memref_squeeze %dma_wait3A_189 : memref<1x32x1024xf32, #tpu.memory_space<vmem>> -> memref<32x1024xf32, #tpu.memory_space<vmem>>
    %dma_wait3A_191 = arith.constant 0 : i32
    %dma_wait3A_192 = tpu.memref_slice %arg7[%dma_wait3A, %dma_wait3A_191] : memref<32x32xi32, #tpu.memory_space<vmem>> -> memref<1x32xi32, #tpu.memory_space<vmem>>
    %dma_wait3A_193 = tpu.memref_squeeze %dma_wait3A_192 : memref<1x32xi32, #tpu.memory_space<vmem>> -> memref<32xi32, #tpu.memory_space<vmem>>
    %dma_wait3A_194 = arith.constant 0 : i32
    %dma_wait3A_195 = arith.constant 0 : i32
    %dma_wait3A_196 = tpu.memref_slice %arg3[%dma_wait3A_194, %dma_wait3A_195] : memref<16384x1024xf32, #tpu.memory_space<hbm>> -> memref<16384x1024xf32, #tpu.memory_space<hbm>>
    %dma_wait3A_197 = tpu.memref_slice %arg10[%dma_wait3A_186] : memref<3x!tpu.dma_semaphore, #tpu.memory_space<semaphore_mem>> -> memref<1x!tpu.dma_semaphore, #tpu.memory_space<semaphore_mem>>
    %dma_wait3A_198 = tpu.memref_squeeze %dma_wait3A_197 : memref<1x!tpu.dma_semaphore, #tpu.memory_space<semaphore_mem>> -> memref<!tpu.dma_semaphore, #tpu.memory_space<semaphore_mem>>
    tpu.wait_indirect_dma semaphore(%dma_wait3A_198 : memref<!tpu.dma_semaphore, #tpu.memory_space<semaphore_mem>>) src(%dma_wait3A_196 : memref<16384x1024xf32, #tpu.memory_space<hbm>>) dst(%dma_wait3A_190 : memref<32x1024xf32, #tpu.memory_space<vmem>>)
    %add3A_199 = arith.constant 0 : i32
    %add3A_200 = arith.addi %mul3A_5, %add3A_199 : i32
    %dma_start3A_201 = arith.constant 0 : i32
    %dma_start3A_202 = arith.constant 0 : i32
    %dma_start3A_203 = arith.constant 0 : i32
    %dma_start3A_204 = arith.constant 0 : i32
    %dma_start3A_205 = tpu.memref_slice %arg9[%dma_start3A_201, %dma_start3A_203, %dma_start3A_204] : memref<3x32x1024xf32, #tpu.memory_space<vmem>> -> memref<1x32x1024xf32, #tpu.memory_space<vmem>>
    %dma_start3A_206 = tpu.memref_squeeze %dma_start3A_205 : memref<1x32x1024xf32, #tpu.memory_space<vmem>> -> memref<32x1024xf32, #tpu.memory_space<vmem>>
    %dma_start3A_207 = arith.constant 0 : i32
    %dma_start3A_208 = tpu.memref_slice %arg4[%add3A_200, %dma_start3A_207] : memref<32768x1024xf32, #tpu.memory_space<hbm>> -> memref<32x1024xf32, #tpu.memory_space<hbm>>
    %dma_start3A_209 = tpu.memref_slice %arg11[%dma_start3A_202] : memref<3x!tpu.dma_semaphore, #tpu.memory_space<semaphore_mem>> -> memref<1x!tpu.dma_semaphore, #tpu.memory_space<semaphore_mem>>
    %dma_start3A_210 = tpu.memref_squeeze %dma_start3A_209 : memref<1x!tpu.dma_semaphore, #tpu.memory_space<semaphore_mem>> -> memref<!tpu.dma_semaphore, #tpu.memory_space<semaphore_mem>>
    %dma_start3A_211 = arith.constant 0 : i32
    %dma_start3A_212 = tpu.memref_slice %arg4[%add3A_200, %dma_start3A_211] : memref<32768x1024xf32, #tpu.memory_space<hbm>> -> memref<32x1024xf32, #tpu.memory_space<hbm>>
    %dma_start3A_213 = arith.constant 0 : i32
    %dma_start3A_214 = arith.constant 0 : i32
    %dma_start3A_215 = tpu.memref_slice %arg9[%dma_start3A_201, %dma_start3A_213, %dma_start3A_214] : memref<3x32x1024xf32, #tpu.memory_space<vmem>> -> memref<1x32x1024xf32, #tpu.memory_space<vmem>>
    %dma_start3A_216 = tpu.memref_squeeze %dma_start3A_215 : memref<1x32x1024xf32, #tpu.memory_space<vmem>> -> memref<32x1024xf32, #tpu.memory_space<vmem>>
    tpu.enqueue_dma source(%dma_start3A_216 : memref<32x1024xf32, #tpu.memory_space<vmem>>) target(%dma_start3A_212 : memref<32x1024xf32, #tpu.memory_space<hbm>>) target_semaphore(%dma_start3A_210 : memref<!tpu.dma_semaphore, #tpu.memory_space<semaphore_mem>>)
    %dma_start3A_217 = arith.constant 2 : i32
    %dma_start3A_218 = arith.constant 2 : i32
    %dma_start3A_219 = arith.constant 2 : i32
    %dma_start3A_220 = arith.constant 0 : i32
    %dma_start3A_221 = arith.constant 0 : i32
    %dma_start3A_222 = tpu.memref_slice %arg9[%dma_start3A_218, %dma_start3A_220, %dma_start3A_221] : memref<3x32x1024xf32, #tpu.memory_space<vmem>> -> memref<1x32x1024xf32, #tpu.memory_space<vmem>>
    %dma_start3A_223 = tpu.memref_squeeze %dma_start3A_222 : memref<1x32x1024xf32, #tpu.memory_space<vmem>> -> memref<32x1024xf32, #tpu.memory_space<vmem>>
    %dma_start3A_224 = arith.constant 0 : i32
    %dma_start3A_225 = tpu.memref_slice %arg7[%dma_start3A_217, %dma_start3A_224] : memref<32x32xi32, #tpu.memory_space<vmem>> -> memref<1x32xi32, #tpu.memory_space<vmem>>
    %dma_start3A_226 = tpu.memref_squeeze %dma_start3A_225 : memref<1x32xi32, #tpu.memory_space<vmem>> -> memref<32xi32, #tpu.memory_space<vmem>>
    %dma_start3A_227 = arith.constant 0 : i32
    %dma_start3A_228 = arith.constant 0 : i32
    %dma_start3A_229 = tpu.memref_slice %arg3[%dma_start3A_227, %dma_start3A_228] : memref<16384x1024xf32, #tpu.memory_space<hbm>> -> memref<16384x1024xf32, #tpu.memory_space<hbm>>
    %dma_start3A_230 = tpu.memref_slice %arg10[%dma_start3A_219] : memref<3x!tpu.dma_semaphore, #tpu.memory_space<semaphore_mem>> -> memref<1x!tpu.dma_semaphore, #tpu.memory_space<semaphore_mem>>
    %dma_start3A_231 = tpu.memref_squeeze %dma_start3A_230 : memref<1x!tpu.dma_semaphore, #tpu.memory_space<semaphore_mem>> -> memref<!tpu.dma_semaphore, #tpu.memory_space<semaphore_mem>>
    tpu.enqueue_indirect_dma source(%dma_start3A_229 : memref<16384x1024xf32, #tpu.memory_space<hbm>>) target(%dma_start3A_223 : memref<32x1024xf32, #tpu.memory_space<vmem>>) offsets(%dma_start3A_226 : memref<32xi32, #tpu.memory_space<vmem>>) semaphore(%dma_start3A_231 : memref<!tpu.dma_semaphore, #tpu.memory_space<semaphore_mem>>)
    %dma_wait3A_232 = arith.constant 1 : i32
    %dma_wait3A_233 = arith.constant 1 : i32
    %dma_wait3A_234 = arith.constant 1 : i32
    %dma_wait3A_235 = arith.constant 0 : i32
    %dma_wait3A_236 = arith.constant 0 : i32
    %dma_wait3A_237 = tpu.memref_slice %arg9[%dma_wait3A_233, %dma_wait3A_235, %dma_wait3A_236] : memref<3x32x1024xf32, #tpu.memory_space<vmem>> -> memref<1x32x1024xf32, #tpu.memory_space<vmem>>
    %dma_wait3A_238 = tpu.memref_squeeze %dma_wait3A_237 : memref<1x32x1024xf32, #tpu.memory_space<vmem>> -> memref<32x1024xf32, #tpu.memory_space<vmem>>
    %dma_wait3A_239 = arith.constant 0 : i32
    %dma_wait3A_240 = tpu.memref_slice %arg7[%dma_wait3A_232, %dma_wait3A_239] : memref<32x32xi32, #tpu.memory_space<vmem>> -> memref<1x32xi32, #tpu.memory_space<vmem>>
    %dma_wait3A_241 = tpu.memref_squeeze %dma_wait3A_240 : memref<1x32xi32, #tpu.memory_space<vmem>> -> memref<32xi32, #tpu.memory_space<vmem>>
    %dma_wait3A_242 = arith.constant 0 : i32
    %dma_wait3A_243 = arith.constant 0 : i32
    %dma_wait3A_244 = tpu.memref_slice %arg3[%dma_wait3A_242, %dma_wait3A_243] : memref<16384x1024xf32, #tpu.memory_space<hbm>> -> memref<16384x1024xf32, #tpu.memory_space<hbm>>
    %dma_wait3A_245 = tpu.memref_slice %arg10[%dma_wait3A_234] : memref<3x!tpu.dma_semaphore, #tpu.memory_space<semaphore_mem>> -> memref<1x!tpu.dma_semaphore, #tpu.memory_space<semaphore_mem>>
    %dma_wait3A_246 = tpu.memref_squeeze %dma_wait3A_245 : memref<1x!tpu.dma_semaphore, #tpu.memory_space<semaphore_mem>> -> memref<!tpu.dma_semaphore, #tpu.memory_space<semaphore_mem>>
    tpu.wait_indirect_dma semaphore(%dma_wait3A_246 : memref<!tpu.dma_semaphore, #tpu.memory_space<semaphore_mem>>) src(%dma_wait3A_244 : memref<16384x1024xf32, #tpu.memory_space<hbm>>) dst(%dma_wait3A_238 : memref<32x1024xf32, #tpu.memory_space<vmem>>)
    %add3A_247 = arith.constant 32 : i32
    %add3A_248 = arith.addi %mul3A_5, %add3A_247 : i32
    %dma_start3A_249 = arith.constant 1 : i32
    %dma_start3A_250 = arith.constant 1 : i32
    %dma_start3A_251 = arith.constant 0 : i32
    %dma_start3A_252 = arith.constant 0 : i32
    %dma_start3A_253 = tpu.memref_slice %arg9[%dma_start3A_249, %dma_start3A_251, %dma_start3A_252] : memref<3x32x1024xf32, #tpu.memory_space<vmem>> -> memref<1x32x1024xf32, #tpu.memory_space<vmem>>
    %dma_start3A_254 = tpu.memref_squeeze %dma_start3A_253 : memref<1x32x1024xf32, #tpu.memory_space<vmem>> -> memref<32x1024xf32, #tpu.memory_space<vmem>>
    %dma_start3A_255 = arith.constant 0 : i32
    %dma_start3A_256 = tpu.memref_slice %arg4[%add3A_248, %dma_start3A_255] : memref<32768x1024xf32, #tpu.memory_space<hbm>> -> memref<32x1024xf32, #tpu.memory_space<hbm>>
    %dma_start3A_257 = tpu.memref_slice %arg11[%dma_start3A_250] : memref<3x!tpu.dma_semaphore, #tpu.memory_space<semaphore_mem>> -> memref<1x!tpu.dma_semaphore, #tpu.memory_space<semaphore_mem>>
    %dma_start3A_258 = tpu.memref_squeeze %dma_start3A_257 : memref<1x!tpu.dma_semaphore, #tpu.memory_space<semaphore_mem>> -> memref<!tpu.dma_semaphore, #tpu.memory_space<semaphore_mem>>
    %dma_start3A_259 = arith.constant 0 : i32
    %dma_start3A_260 = tpu.memref_slice %arg4[%add3A_248, %dma_start3A_259] : memref<32768x1024xf32, #tpu.memory_space<hbm>> -> memref<32x1024xf32, #tpu.memory_space<hbm>>
    %dma_start3A_261 = arith.constant 0 : i32
    %dma_start3A_262 = arith.constant 0 : i32
    %dma_start3A_263 = tpu.memref_slice %arg9[%dma_start3A_249, %dma_start3A_261, %dma_start3A_262] : memref<3x32x1024xf32, #tpu.memory_space<vmem>> -> memref<1x32x1024xf32, #tpu.memory_space<vmem>>
    %dma_start3A_264 = tpu.memref_squeeze %dma_start3A_263 : memref<1x32x1024xf32, #tpu.memory_space<vmem>> -> memref<32x1024xf32, #tpu.memory_space<vmem>>
    tpu.enqueue_dma source(%dma_start3A_264 : memref<32x1024xf32, #tpu.memory_space<vmem>>) target(%dma_start3A_260 : memref<32x1024xf32, #tpu.memory_space<hbm>>) target_semaphore(%dma_start3A_258 : memref<!tpu.dma_semaphore, #tpu.memory_space<semaphore_mem>>)
    %add3A_265 = arith.constant 0 : i32
    %add3A_266 = arith.addi %mul3A_5, %add3A_265 : i32
    %dma_wait3A_267 = arith.constant 0 : i32
    %dma_wait3A_268 = arith.constant 0 : i32
    %dma_wait3A_269 = arith.constant 0 : i32
    %dma_wait3A_270 = arith.constant 0 : i32
    %dma_wait3A_271 = tpu.memref_slice %arg9[%dma_wait3A_267, %dma_wait3A_269, %dma_wait3A_270] : memref<3x32x1024xf32, #tpu.memory_space<vmem>> -> memref<1x32x1024xf32, #tpu.memory_space<vmem>>
    %dma_wait3A_272 = tpu.memref_squeeze %dma_wait3A_271 : memref<1x32x1024xf32, #tpu.memory_space<vmem>> -> memref<32x1024xf32, #tpu.memory_space<vmem>>
    %dma_wait3A_273 = arith.constant 0 : i32
    %dma_wait3A_274 = tpu.memref_slice %arg4[%add3A_266, %dma_wait3A_273] : memref<32768x1024xf32, #tpu.memory_space<hbm>> -> memref<32x1024xf32, #tpu.memory_space<hbm>>
    %dma_wait3A_275 = tpu.memref_slice %arg11[%dma_wait3A_268] : memref<3x!tpu.dma_semaphore, #tpu.memory_space<semaphore_mem>> -> memref<1x!tpu.dma_semaphore, #tpu.memory_space<semaphore_mem>>
    %dma_wait3A_276 = tpu.memref_squeeze %dma_wait3A_275 : memref<1x!tpu.dma_semaphore, #tpu.memory_space<semaphore_mem>> -> memref<!tpu.dma_semaphore, #tpu.memory_space<semaphore_mem>>
    %dma_wait3A_277 = arith.constant 0 : i32
    %dma_wait3A_278 = tpu.memref_slice %arg4[%add3A_266, %dma_wait3A_277] : memref<32768x1024xf32, #tpu.memory_space<hbm>> -> memref<32x1024xf32, #tpu.memory_space<hbm>>
    %dma_wait3A_279 = arith.constant 0 : i32
    %dma_wait3A_280 = arith.constant 0 : i32
    %dma_wait3A_281 = tpu.memref_slice %arg9[%dma_wait3A_267, %dma_wait3A_279, %dma_wait3A_280] : memref<3x32x1024xf32, #tpu.memory_space<vmem>> -> memref<1x32x1024xf32, #tpu.memory_space<vmem>>
    %dma_wait3A_282 = tpu.memref_squeeze %dma_wait3A_281 : memref<1x32x1024xf32, #tpu.memory_space<vmem>> -> memref<32x1024xf32, #tpu.memory_space<vmem>>
    tpu.wait_dma2 semaphore(%dma_wait3A_276 : memref<!tpu.dma_semaphore, #tpu.memory_space<semaphore_mem>>) src(%dma_wait3A_282 : memref<32x1024xf32, #tpu.memory_space<vmem>>) dst(%dma_wait3A_278 : memref<32x1024xf32, #tpu.memory_space<hbm>>)
    %dma_start3A_283 = arith.constant 3 : i32
    %dma_start3A_284 = arith.constant 0 : i32
    %dma_start3A_285 = arith.constant 0 : i32
    %dma_start3A_286 = arith.constant 0 : i32
    %dma_start3A_287 = arith.constant 0 : i32
    %dma_start3A_288 = tpu.memref_slice %arg9[%dma_start3A_284, %dma_start3A_286, %dma_start3A_287] : memref<3x32x1024xf32, #tpu.memory_space<vmem>> -> memref<1x32x1024xf32, #tpu.memory_space<vmem>>
    %dma_start3A_289 = tpu.memref_squeeze %dma_start3A_288 : memref<1x32x1024xf32, #tpu.memory_space<vmem>> -> memref<32x1024xf32, #tpu.memory_space<vmem>>
    %dma_start3A_290 = arith.constant 0 : i32
    %dma_start3A_291 = tpu.memref_slice %arg7[%dma_start3A_283, %dma_start3A_290] : memref<32x32xi32, #tpu.memory_space<vmem>> -> memref<1x32xi32, #tpu.memory_space<vmem>>
    %dma_start3A_292 = tpu.memref_squeeze %dma_start3A_291 : memref<1x32xi32, #tpu.memory_space<vmem>> -> memref<32xi32, #tpu.memory_space<vmem>>
    %dma_start3A_293 = arith.constant 0 : i32
    %dma_start3A_294 = arith.constant 0 : i32
    %dma_start3A_295 = tpu.memref_slice %arg3[%dma_start3A_293, %dma_start3A_294] : memref<16384x1024xf32, #tpu.memory_space<hbm>> -> memref<16384x1024xf32, #tpu.memory_space<hbm>>
    %dma_start3A_296 = tpu.memref_slice %arg10[%dma_start3A_285] : memref<3x!tpu.dma_semaphore, #tpu.memory_space<semaphore_mem>> -> memref<1x!tpu.dma_semaphore, #tpu.memory_space<semaphore_mem>>
    %dma_start3A_297 = tpu.memref_squeeze %dma_start3A_296 : memref<1x!tpu.dma_semaphore, #tpu.memory_space<semaphore_mem>> -> memref<!tpu.dma_semaphore, #tpu.memory_space<semaphore_mem>>
    tpu.enqueue_indirect_dma source(%dma_start3A_295 : memref<16384x1024xf32, #tpu.memory_space<hbm>>) target(%dma_start3A_289 : memref<32x1024xf32, #tpu.memory_space<vmem>>) offsets(%dma_start3A_292 : memref<32xi32, #tpu.memory_space<vmem>>) semaphore(%dma_start3A_297 : memref<!tpu.dma_semaphore, #tpu.memory_space<semaphore_mem>>)
    %dma_wait3A_298 = arith.constant 2 : i32
    %dma_wait3A_299 = arith.constant 2 : i32
    %dma_wait3A_300 = arith.constant 2 : i32
    %dma_wait3A_301 = arith.constant 0 : i32
    %dma_wait3A_302 = arith.constant 0 : i32
    %dma_wait3A_303 = tpu.memref_slice %arg9[%dma_wait3A_299, %dma_wait3A_301, %dma_wait3A_302] : memref<3x32x1024xf32, #tpu.memory_space<vmem>> -> memref<1x32x1024xf32, #tpu.memory_space<vmem>>
    %dma_wait3A_304 = tpu.memref_squeeze %dma_wait3A_303 : memref<1x32x1024xf32, #tpu.memory_space<vmem>> -> memref<32x1024xf32, #tpu.memory_space<vmem>>
    %dma_wait3A_305 = arith.constant 0 : i32
    %dma_wait3A_306 = tpu.memref_slice %arg7[%dma_wait3A_298, %dma_wait3A_305] : memref<32x32xi32, #tpu.memory_space<vmem>> -> memref<1x32xi32, #tpu.memory_space<vmem>>
    %dma_wait3A_307 = tpu.memref_squeeze %dma_wait3A_306 : memref<1x32xi32, #tpu.memory_space<vmem>> -> memref<32xi32, #tpu.memory_space<vmem>>
    %dma_wait3A_308 = arith.constant 0 : i32
    %dma_wait3A_309 = arith.constant 0 : i32
    %dma_wait3A_310 = tpu.memref_slice %arg3[%dma_wait3A_308, %dma_wait3A_309] : memref<16384x1024xf32, #tpu.memory_space<hbm>> -> memref<16384x1024xf32, #tpu.memory_space<hbm>>
    %dma_wait3A_311 = tpu.memref_slice %arg10[%dma_wait3A_300] : memref<3x!tpu.dma_semaphore, #tpu.memory_space<semaphore_mem>> -> memref<1x!tpu.dma_semaphore, #tpu.memory_space<semaphore_mem>>
    %dma_wait3A_312 = tpu.memref_squeeze %dma_wait3A_311 : memref<1x!tpu.dma_semaphore, #tpu.memory_space<semaphore_mem>> -> memref<!tpu.dma_semaphore, #tpu.memory_space<semaphore_mem>>
    tpu.wait_indirect_dma semaphore(%dma_wait3A_312 : memref<!tpu.dma_semaphore, #tpu.memory_space<semaphore_mem>>) src(%dma_wait3A_310 : memref<16384x1024xf32, #tpu.memory_space<hbm>>) dst(%dma_wait3A_304 : memref<32x1024xf32, #tpu.memory_space<vmem>>)
    %add3A_313 = arith.constant 64 : i32
    %add3A_314 = arith.addi %mul3A_5, %add3A_313 : i32
    %dma_start3A_315 = arith.constant 2 : i32
    %dma_start3A_316 = arith.constant 2 : i32
    %dma_start3A_317 = arith.constant 0 : i32
    %dma_start3A_318 = arith.constant 0 : i32
    %dma_start3A_319 = tpu.memref_slice %arg9[%dma_start3A_315, %dma_start3A_317, %dma_start3A_318] : memref<3x32x1024xf32, #tpu.memory_space<vmem>> -> memref<1x32x1024xf32, #tpu.memory_space<vmem>>
    %dma_start3A_320 = tpu.memref_squeeze %dma_start3A_319 : memref<1x32x1024xf32, #tpu.memory_space<vmem>> -> memref<32x1024xf32, #tpu.memory_space<vmem>>
    %dma_start3A_321 = arith.constant 0 : i32
    %dma_start3A_322 = tpu.memref_slice %arg4[%add3A_314, %dma_start3A_321] : memref<32768x1024xf32, #tpu.memory_space<hbm>> -> memref<32x1024xf32, #tpu.memory_space<hbm>>
    %dma_start3A_323 = tpu.memref_slice %arg11[%dma_start3A_316] : memref<3x!tpu.dma_semaphore, #tpu.memory_space<semaphore_mem>> -> memref<1x!tpu.dma_semaphore, #tpu.memory_space<semaphore_mem>>
    %dma_start3A_324 = tpu.memref_squeeze %dma_start3A_323 : memref<1x!tpu.dma_semaphore, #tpu.memory_space<semaphore_mem>> -> memref<!tpu.dma_semaphore, #tpu.memory_space<semaphore_mem>>
    %dma_start3A_325 = arith.constant 0 : i32
    %dma_start3A_326 = tpu.memref_slice %arg4[%add3A_314, %dma_start3A_325] : memref<32768x1024xf32, #tpu.memory_space<hbm>> -> memref<32x1024xf32, #tpu.memory_space<hbm>>
    %dma_start3A_327 = arith.constant 0 : i32
    %dma_start3A_328 = arith.constant 0 : i32
    %dma_start3A_329 = tpu.memref_slice %arg9[%dma_start3A_315, %dma_start3A_327, %dma_start3A_328] : memref<3x32x1024xf32, #tpu.memory_space<vmem>> -> memref<1x32x1024xf32, #tpu.memory_space<vmem>>
    %dma_start3A_330 = tpu.memref_squeeze %dma_start3A_329 : memref<1x32x1024xf32, #tpu.memory_space<vmem>> -> memref<32x1024xf32, #tpu.memory_space<vmem>>
    tpu.enqueue_dma source(%dma_start3A_330 : memref<32x1024xf32, #tpu.memory_space<vmem>>) target(%dma_start3A_326 : memref<32x1024xf32, #tpu.memory_space<hbm>>) target_semaphore(%dma_start3A_324 : memref<!tpu.dma_semaphore, #tpu.memory_space<semaphore_mem>>)
    %add3A_331 = arith.constant 32 : i32
    %add3A_332 = arith.addi %mul3A_5, %add3A_331 : i32
    %dma_wait3A_333 = arith.constant 1 : i32
    %dma_wait3A_334 = arith.constant 1 : i32
    %dma_wait3A_335 = arith.constant 0 : i32
    %dma_wait3A_336 = arith.constant 0 : i32
    %dma_wait3A_337 = tpu.memref_slice %arg9[%dma_wait3A_333, %dma_wait3A_335, %dma_wait3A_336] : memref<3x32x1024xf32, #tpu.memory_space<vmem>> -> memref<1x32x1024xf32, #tpu.memory_space<vmem>>
    %dma_wait3A_338 = tpu.memref_squeeze %dma_wait3A_337 : memref<1x32x1024xf32, #tpu.memory_space<vmem>> -> memref<32x1024xf32, #tpu.memory_space<vmem>>
    %dma_wait3A_339 = arith.constant 0 : i32
    %dma_wait3A_340 = tpu.memref_slice %arg4[%add3A_332, %dma_wait3A_339] : memref<32768x1024xf32, #tpu.memory_space<hbm>> -> memref<32x1024xf32, #tpu.memory_space<hbm>>
    %dma_wait3A_341 = tpu.memref_slice %arg11[%dma_wait3A_334] : memref<3x!tpu.dma_semaphore, #tpu.memory_space<semaphore_mem>> -> memref<1x!tpu.dma_semaphore, #tpu.memory_space<semaphore_mem>>
    %dma_wait3A_342 = tpu.memref_squeeze %dma_wait3A_341 : memref<1x!tpu.dma_semaphore, #tpu.memory_space<semaphore_mem>> -> memref<!tpu.dma_semaphore, #tpu.memory_space<semaphore_mem>>
    %dma_wait3A_343 = arith.constant 0 : i32
    %dma_wait3A_344 = tpu.memref_slice %arg4[%add3A_332, %dma_wait3A_343] : memref<32768x1024xf32, #tpu.memory_space<hbm>> -> memref<32x1024xf32, #tpu.memory_space<hbm>>
    %dma_wait3A_345 = arith.constant 0 : i32
    %dma_wait3A_346 = arith.constant 0 : i32
    %dma_wait3A_347 = tpu.memref_slice %arg9[%dma_wait3A_333, %dma_wait3A_345, %dma_wait3A_346] : memref<3x32x1024xf32, #tpu.memory_space<vmem>> -> memref<1x32x1024xf32, #tpu.memory_space<vmem>>
    %dma_wait3A_348 = tpu.memref_squeeze %dma_wait3A_347 : memref<1x32x1024xf32, #tpu.memory_space<vmem>> -> memref<32x1024xf32, #tpu.memory_space<vmem>>
    tpu.wait_dma2 semaphore(%dma_wait3A_342 : memref<!tpu.dma_semaphore, #tpu.memory_space<semaphore_mem>>) src(%dma_wait3A_348 : memref<32x1024xf32, #tpu.memory_space<vmem>>) dst(%dma_wait3A_344 : memref<32x1024xf32, #tpu.memory_space<hbm>>)
    %dma_start3A_349 = arith.constant 4 : i32
    %dma_start3A_350 = arith.constant 1 : i32
    %dma_start3A_351 = arith.constant 1 : i32
    %dma_start3A_352 = arith.constant 0 : i32
    %dma_start3A_353 = arith.constant 0 : i32
    %dma_start3A_354 = tpu.memref_slice %arg9[%dma_start3A_350, %dma_start3A_352, %dma_start3A_353] : memref<3x32x1024xf32, #tpu.memory_space<vmem>> -> memref<1x32x1024xf32, #tpu.memory_space<vmem>>
    %dma_start3A_355 = tpu.memref_squeeze %dma_start3A_354 : memref<1x32x1024xf32, #tpu.memory_space<vmem>> -> memref<32x1024xf32, #tpu.memory_space<vmem>>
    %dma_start3A_356 = arith.constant 0 : i32
    %dma_start3A_357 = tpu.memref_slice %arg7[%dma_start3A_349, %dma_start3A_356] : memref<32x32xi32, #tpu.memory_space<vmem>> -> memref<1x32xi32, #tpu.memory_space<vmem>>
    %dma_start3A_358 = tpu.memref_squeeze %dma_start3A_357 : memref<1x32xi32, #tpu.memory_space<vmem>> -> memref<32xi32, #tpu.memory_space<vmem>>
    %dma_start3A_359 = arith.constant 0 : i32
    %dma_start3A_360 = arith.constant 0 : i32
    %dma_start3A_361 = tpu.memref_slice %arg3[%dma_start3A_359, %dma_start3A_360] : memref<16384x1024xf32, #tpu.memory_space<hbm>> -> memref<16384x1024xf32, #tpu.memory_space<hbm>>
    %dma_start3A_362 = tpu.memref_slice %arg10[%dma_start3A_351] : memref<3x!tpu.dma_semaphore, #tpu.memory_space<semaphore_mem>> -> memref<1x!tpu.dma_semaphore, #tpu.memory_space<semaphore_mem>>
    %dma_start3A_363 = tpu.memref_squeeze %dma_start3A_362 : memref<1x!tpu.dma_semaphore, #tpu.memory_space<semaphore_mem>> -> memref<!tpu.dma_semaphore, #tpu.memory_space<semaphore_mem>>
    tpu.enqueue_indirect_dma source(%dma_start3A_361 : memref<16384x1024xf32, #tpu.memory_space<hbm>>) target(%dma_start3A_355 : memref<32x1024xf32, #tpu.memory_space<vmem>>) offsets(%dma_start3A_358 : memref<32xi32, #tpu.memory_space<vmem>>) semaphore(%dma_start3A_363 : memref<!tpu.dma_semaphore, #tpu.memory_space<semaphore_mem>>)
    %scan3A_364 = arith.constant 0 : i32
    %scan3A_365 = arith.constant 1 : i32
    %scan3A_366 = arith.constant 9 : i32
    %scan3A_367 = arith.addi %scan3A_365, %scan3A_366 : i32
    %scan3A_368 = arith.constant 1 : i32
    scf.for %scan3A_490 = %scan3A_365 to %scan3A_367 step %scan3A_368  : i32 {
      %mul3A_491 = arith.constant 3 : i32
      %mul3A_492 = arith.muli %scan3A_490, %mul3A_491 : i32
      %add3A_493 = arith.constant 0 : i32
      %add3A_494 = arith.addi %mul3A_492, %add3A_493 : i32
      %dma_wait3A_495 = arith.constant 0 : i32
      %dma_wait3A_496 = arith.constant 0 : i32
      %dma_wait3A_497 = arith.constant 0 : i32
      %dma_wait3A_498 = arith.constant 0 : i32
      %dma_wait3A_499 = tpu.memref_slice %arg9[%dma_wait3A_495, %dma_wait3A_497, %dma_wait3A_498] : memref<3x32x1024xf32, #tpu.memory_space<vmem>> -> memref<1x32x1024xf32, #tpu.memory_space<vmem>>
      %dma_wait3A_500 = tpu.memref_squeeze %dma_wait3A_499 : memref<1x32x1024xf32, #tpu.memory_space<vmem>> -> memref<32x1024xf32, #tpu.memory_space<vmem>>
      %dma_wait3A_501 = arith.constant 0 : i32
      %dma_wait3A_502 = tpu.memref_slice %arg7[%add3A_494, %dma_wait3A_501] : memref<32x32xi32, #tpu.memory_space<vmem>> -> memref<1x32xi32, #tpu.memory_space<vmem>>
      %dma_wait3A_503 = tpu.memref_squeeze %dma_wait3A_502 : memref<1x32xi32, #tpu.memory_space<vmem>> -> memref<32xi32, #tpu.memory_space<vmem>>
      %dma_wait3A_504 = arith.constant 0 : i32
      %dma_wait3A_505 = arith.constant 0 : i32
      %dma_wait3A_506 = tpu.memref_slice %arg3[%dma_wait3A_504, %dma_wait3A_505] : memref<16384x1024xf32, #tpu.memory_space<hbm>> -> memref<16384x1024xf32, #tpu.memory_space<hbm>>
      %dma_wait3A_507 = tpu.memref_slice %arg10[%dma_wait3A_496] : memref<3x!tpu.dma_semaphore, #tpu.memory_space<semaphore_mem>> -> memref<1x!tpu.dma_semaphore, #tpu.memory_space<semaphore_mem>>
      %dma_wait3A_508 = tpu.memref_squeeze %dma_wait3A_507 : memref<1x!tpu.dma_semaphore, #tpu.memory_space<semaphore_mem>> -> memref<!tpu.dma_semaphore, #tpu.memory_space<semaphore_mem>>
      tpu.wait_indirect_dma semaphore(%dma_wait3A_508 : memref<!tpu.dma_semaphore, #tpu.memory_space<semaphore_mem>>) src(%dma_wait3A_506 : memref<16384x1024xf32, #tpu.memory_space<hbm>>) dst(%dma_wait3A_500 : memref<32x1024xf32, #tpu.memory_space<vmem>>)
      %mul3A_509 = arith.constant 32 : i32
      %mul3A_510 = arith.muli %add3A_494, %mul3A_509 : i32
      %add3A_511 = arith.addi %mul3A_5, %mul3A_510 : i32
      %dma_start3A_512 = arith.constant 0 : i32
      %dma_start3A_513 = arith.constant 0 : i32
      %dma_start3A_514 = arith.constant 0 : i32
      %dma_start3A_515 = arith.constant 0 : i32
      %dma_start3A_516 = tpu.memref_slice %arg9[%dma_start3A_512, %dma_start3A_514, %dma_start3A_515] : memref<3x32x1024xf32, #tpu.memory_space<vmem>> -> memref<1x32x1024xf32, #tpu.memory_space<vmem>>
      %dma_start3A_517 = tpu.memref_squeeze %dma_start3A_516 : memref<1x32x1024xf32, #tpu.memory_space<vmem>> -> memref<32x1024xf32, #tpu.memory_space<vmem>>
      %dma_start3A_518 = arith.constant 0 : i32
      %dma_start3A_519 = tpu.memref_slice %arg4[%add3A_511, %dma_start3A_518] : memref<32768x1024xf32, #tpu.memory_space<hbm>> -> memref<32x1024xf32, #tpu.memory_space<hbm>>
      %dma_start3A_520 = tpu.memref_slice %arg11[%dma_start3A_513] : memref<3x!tpu.dma_semaphore, #tpu.memory_space<semaphore_mem>> -> memref<1x!tpu.dma_semaphore, #tpu.memory_space<semaphore_mem>>
      %dma_start3A_521 = tpu.memref_squeeze %dma_start3A_520 : memref<1x!tpu.dma_semaphore, #tpu.memory_space<semaphore_mem>> -> memref<!tpu.dma_semaphore, #tpu.memory_space<semaphore_mem>>
      %dma_start3A_522 = arith.constant 0 : i32
      %dma_start3A_523 = tpu.memref_slice %arg4[%add3A_511, %dma_start3A_522] : memref<32768x1024xf32, #tpu.memory_space<hbm>> -> memref<32x1024xf32, #tpu.memory_space<hbm>>
      %dma_start3A_524 = arith.constant 0 : i32
      %dma_start3A_525 = arith.constant 0 : i32
      %dma_start3A_526 = tpu.memref_slice %arg9[%dma_start3A_512, %dma_start3A_524, %dma_start3A_525] : memref<3x32x1024xf32, #tpu.memory_space<vmem>> -> memref<1x32x1024xf32, #tpu.memory_space<vmem>>
      %dma_start3A_527 = tpu.memref_squeeze %dma_start3A_526 : memref<1x32x1024xf32, #tpu.memory_space<vmem>> -> memref<32x1024xf32, #tpu.memory_space<vmem>>
      tpu.enqueue_dma source(%dma_start3A_527 : memref<32x1024xf32, #tpu.memory_space<vmem>>) target(%dma_start3A_523 : memref<32x1024xf32, #tpu.memory_space<hbm>>) target_semaphore(%dma_start3A_521 : memref<!tpu.dma_semaphore, #tpu.memory_space<semaphore_mem>>)
      %sub3A_528 = arith.constant 1 : i32
      %sub3A_529 = arith.subi %add3A_494, %sub3A_528 : i32
      %mul3A_530 = arith.constant 32 : i32
      %mul3A_531 = arith.muli %sub3A_529, %mul3A_530 : i32
      %add3A_532 = arith.addi %mul3A_5, %mul3A_531 : i32
      %dma_wait3A_533 = arith.constant 2 : i32
      %dma_wait3A_534 = arith.constant 2 : i32
      %dma_wait3A_535 = arith.constant 0 : i32
      %dma_wait3A_536 = arith.constant 0 : i32
      %dma_wait3A_537 = tpu.memref_slice %arg9[%dma_wait3A_533, %dma_wait3A_535, %dma_wait3A_536] : memref<3x32x1024xf32, #tpu.memory_space<vmem>> -> memref<1x32x1024xf32, #tpu.memory_space<vmem>>
      %dma_wait3A_538 = tpu.memref_squeeze %dma_wait3A_537 : memref<1x32x1024xf32, #tpu.memory_space<vmem>> -> memref<32x1024xf32, #tpu.memory_space<vmem>>
      %dma_wait3A_539 = arith.constant 0 : i32
      %dma_wait3A_540 = tpu.memref_slice %arg4[%add3A_532, %dma_wait3A_539] : memref<32768x1024xf32, #tpu.memory_space<hbm>> -> memref<32x1024xf32, #tpu.memory_space<hbm>>
      %dma_wait3A_541 = tpu.memref_slice %arg11[%dma_wait3A_534] : memref<3x!tpu.dma_semaphore, #tpu.memory_space<semaphore_mem>> -> memref<1x!tpu.dma_semaphore, #tpu.memory_space<semaphore_mem>>
      %dma_wait3A_542 = tpu.memref_squeeze %dma_wait3A_541 : memref<1x!tpu.dma_semaphore, #tpu.memory_space<semaphore_mem>> -> memref<!tpu.dma_semaphore, #tpu.memory_space<semaphore_mem>>
      %dma_wait3A_543 = arith.constant 0 : i32
      %dma_wait3A_544 = tpu.memref_slice %arg4[%add3A_532, %dma_wait3A_543] : memref<32768x1024xf32, #tpu.memory_space<hbm>> -> memref<32x1024xf32, #tpu.memory_space<hbm>>
      %dma_wait3A_545 = arith.constant 0 : i32
      %dma_wait3A_546 = arith.constant 0 : i32
      %dma_wait3A_547 = tpu.memref_slice %arg9[%dma_wait3A_533, %dma_wait3A_545, %dma_wait3A_546] : memref<3x32x1024xf32, #tpu.memory_space<vmem>> -> memref<1x32x1024xf32, #tpu.memory_space<vmem>>
      %dma_wait3A_548 = tpu.memref_squeeze %dma_wait3A_547 : memref<1x32x1024xf32, #tpu.memory_space<vmem>> -> memref<32x1024xf32, #tpu.memory_space<vmem>>
      tpu.wait_dma2 semaphore(%dma_wait3A_542 : memref<!tpu.dma_semaphore, #tpu.memory_space<semaphore_mem>>) src(%dma_wait3A_548 : memref<32x1024xf32, #tpu.memory_space<vmem>>) dst(%dma_wait3A_544 : memref<32x1024xf32, #tpu.memory_space<hbm>>)
      %add3A_549 = arith.constant 2 : i32
      %add3A_550 = arith.addi %add3A_494, %add3A_549 : i32
      %dma_start3A_551 = arith.constant 2 : i32
      %dma_start3A_552 = arith.constant 2 : i32
      %dma_start3A_553 = arith.constant 0 : i32
      %dma_start3A_554 = arith.constant 0 : i32
      %dma_start3A_555 = tpu.memref_slice %arg9[%dma_start3A_551, %dma_start3A_553, %dma_start3A_554] : memref<3x32x1024xf32, #tpu.memory_space<vmem>> -> memref<1x32x1024xf32, #tpu.memory_space<vmem>>
      %dma_start3A_556 = tpu.memref_squeeze %dma_start3A_555 : memref<1x32x1024xf32, #tpu.memory_space<vmem>> -> memref<32x1024xf32, #tpu.memory_space<vmem>>
      %dma_start3A_557 = arith.constant 0 : i32
      %dma_start3A_558 = tpu.memref_slice %arg7[%add3A_550, %dma_start3A_557] : memref<32x32xi32, #tpu.memory_space<vmem>> -> memref<1x32xi32, #tpu.memory_space<vmem>>
      %dma_start3A_559 = tpu.memref_squeeze %dma_start3A_558 : memref<1x32xi32, #tpu.memory_space<vmem>> -> memref<32xi32, #tpu.memory_space<vmem>>
      %dma_start3A_560 = arith.constant 0 : i32
      %dma_start3A_561 = arith.constant 0 : i32
      %dma_start3A_562 = tpu.memref_slice %arg3[%dma_start3A_560, %dma_start3A_561] : memref<16384x1024xf32, #tpu.memory_space<hbm>> -> memref<16384x1024xf32, #tpu.memory_space<hbm>>
      %dma_start3A_563 = tpu.memref_slice %arg10[%dma_start3A_552] : memref<3x!tpu.dma_semaphore, #tpu.memory_space<semaphore_mem>> -> memref<1x!tpu.dma_semaphore, #tpu.memory_space<semaphore_mem>>
      %dma_start3A_564 = tpu.memref_squeeze %dma_start3A_563 : memref<1x!tpu.dma_semaphore, #tpu.memory_space<semaphore_mem>> -> memref<!tpu.dma_semaphore, #tpu.memory_space<semaphore_mem>>
      tpu.enqueue_indirect_dma source(%dma_start3A_562 : memref<16384x1024xf32, #tpu.memory_space<hbm>>) target(%dma_start3A_556 : memref<32x1024xf32, #tpu.memory_space<vmem>>) offsets(%dma_start3A_559 : memref<32xi32, #tpu.memory_space<vmem>>) semaphore(%dma_start3A_564 : memref<!tpu.dma_semaphore, #tpu.memory_space<semaphore_mem>>)
      %mul3A_565 = arith.constant 3 : i32
      %mul3A_566 = arith.muli %scan3A_490, %mul3A_565 : i32
      %add3A_567 = arith.constant 1 : i32
      %add3A_568 = arith.addi %mul3A_566, %add3A_567 : i32
      %dma_wait3A_569 = arith.constant 1 : i32
      %dma_wait3A_570 = arith.constant 1 : i32
      %dma_wait3A_571 = arith.constant 0 : i32
      %dma_wait3A_572 = arith.constant 0 : i32
      %dma_wait3A_573 = tpu.memref_slice %arg9[%dma_wait3A_569, %dma_wait3A_571, %dma_wait3A_572] : memref<3x32x1024xf32, #tpu.memory_space<vmem>> -> memref<1x32x1024xf32, #tpu.memory_space<vmem>>
      %dma_wait3A_574 = tpu.memref_squeeze %dma_wait3A_573 : memref<1x32x1024xf32, #tpu.memory_space<vmem>> -> memref<32x1024xf32, #tpu.memory_space<vmem>>
      %dma_wait3A_575 = arith.constant 0 : i32
      %dma_wait3A_576 = tpu.memref_slice %arg7[%add3A_568, %dma_wait3A_575] : memref<32x32xi32, #tpu.memory_space<vmem>> -> memref<1x32xi32, #tpu.memory_space<vmem>>
      %dma_wait3A_577 = tpu.memref_squeeze %dma_wait3A_576 : memref<1x32xi32, #tpu.memory_space<vmem>> -> memref<32xi32, #tpu.memory_space<vmem>>
      %dma_wait3A_578 = arith.constant 0 : i32
      %dma_wait3A_579 = arith.constant 0 : i32
      %dma_wait3A_580 = tpu.memref_slice %arg3[%dma_wait3A_578, %dma_wait3A_579] : memref<16384x1024xf32, #tpu.memory_space<hbm>> -> memref<16384x1024xf32, #tpu.memory_space<hbm>>
      %dma_wait3A_581 = tpu.memref_slice %arg10[%dma_wait3A_570] : memref<3x!tpu.dma_semaphore, #tpu.memory_space<semaphore_mem>> -> memref<1x!tpu.dma_semaphore, #tpu.memory_space<semaphore_mem>>
      %dma_wait3A_582 = tpu.memref_squeeze %dma_wait3A_581 : memref<1x!tpu.dma_semaphore, #tpu.memory_space<semaphore_mem>> -> memref<!tpu.dma_semaphore, #tpu.memory_space<semaphore_mem>>
      tpu.wait_indirect_dma semaphore(%dma_wait3A_582 : memref<!tpu.dma_semaphore, #tpu.memory_space<semaphore_mem>>) src(%dma_wait3A_580 : memref<16384x1024xf32, #tpu.memory_space<hbm>>) dst(%dma_wait3A_574 : memref<32x1024xf32, #tpu.memory_space<vmem>>)
      %mul3A_583 = arith.constant 32 : i32
      %mul3A_584 = arith.muli %add3A_568, %mul3A_583 : i32
      %add3A_585 = arith.addi %mul3A_5, %mul3A_584 : i32
      %dma_start3A_586 = arith.constant 1 : i32
      %dma_start3A_587 = arith.constant 1 : i32
      %dma_start3A_588 = arith.constant 0 : i32
      %dma_start3A_589 = arith.constant 0 : i32
      %dma_start3A_590 = tpu.memref_slice %arg9[%dma_start3A_586, %dma_start3A_588, %dma_start3A_589] : memref<3x32x1024xf32, #tpu.memory_space<vmem>> -> memref<1x32x1024xf32, #tpu.memory_space<vmem>>
      %dma_start3A_591 = tpu.memref_squeeze %dma_start3A_590 : memref<1x32x1024xf32, #tpu.memory_space<vmem>> -> memref<32x1024xf32, #tpu.memory_space<vmem>>
      %dma_start3A_592 = arith.constant 0 : i32
      %dma_start3A_593 = tpu.memref_slice %arg4[%add3A_585, %dma_start3A_592] : memref<32768x1024xf32, #tpu.memory_space<hbm>> -> memref<32x1024xf32, #tpu.memory_space<hbm>>
      %dma_start3A_594 = tpu.memref_slice %arg11[%dma_start3A_587] : memref<3x!tpu.dma_semaphore, #tpu.memory_space<semaphore_mem>> -> memref<1x!tpu.dma_semaphore, #tpu.memory_space<semaphore_mem>>
      %dma_start3A_595 = tpu.memref_squeeze %dma_start3A_594 : memref<1x!tpu.dma_semaphore, #tpu.memory_space<semaphore_mem>> -> memref<!tpu.dma_semaphore, #tpu.memory_space<semaphore_mem>>
      %dma_start3A_596 = arith.constant 0 : i32
      %dma_start3A_597 = tpu.memref_slice %arg4[%add3A_585, %dma_start3A_596] : memref<32768x1024xf32, #tpu.memory_space<hbm>> -> memref<32x1024xf32, #tpu.memory_space<hbm>>
      %dma_start3A_598 = arith.constant 0 : i32
      %dma_start3A_599 = arith.constant 0 : i32
      %dma_start3A_600 = tpu.memref_slice %arg9[%dma_start3A_586, %dma_start3A_598, %dma_start3A_599] : memref<3x32x1024xf32, #tpu.memory_space<vmem>> -> memref<1x32x1024xf32, #tpu.memory_space<vmem>>
      %dma_start3A_601 = tpu.memref_squeeze %dma_start3A_600 : memref<1x32x1024xf32, #tpu.memory_space<vmem>> -> memref<32x1024xf32, #tpu.memory_space<vmem>>
      tpu.enqueue_dma source(%dma_start3A_601 : memref<32x1024xf32, #tpu.memory_space<vmem>>) target(%dma_start3A_597 : memref<32x1024xf32, #tpu.memory_space<hbm>>) target_semaphore(%dma_start3A_595 : memref<!tpu.dma_semaphore, #tpu.memory_space<semaphore_mem>>)
      %sub3A_602 = arith.constant 1 : i32
      %sub3A_603 = arith.subi %add3A_568, %sub3A_602 : i32
      %mul3A_604 = arith.constant 32 : i32
      %mul3A_605 = arith.muli %sub3A_603, %mul3A_604 : i32
      %add3A_606 = arith.addi %mul3A_5, %mul3A_605 : i32
      %dma_wait3A_607 = arith.constant 0 : i32
      %dma_wait3A_608 = arith.constant 0 : i32
      %dma_wait3A_609 = arith.constant 0 : i32
      %dma_wait3A_610 = arith.constant 0 : i32
      %dma_wait3A_611 = tpu.memref_slice %arg9[%dma_wait3A_607, %dma_wait3A_609, %dma_wait3A_610] : memref<3x32x1024xf32, #tpu.memory_space<vmem>> -> memref<1x32x1024xf32, #tpu.memory_space<vmem>>
      %dma_wait3A_612 = tpu.memref_squeeze %dma_wait3A_611 : memref<1x32x1024xf32, #tpu.memory_space<vmem>> -> memref<32x1024xf32, #tpu.memory_space<vmem>>
      %dma_wait3A_613 = arith.constant 0 : i32
      %dma_wait3A_614 = tpu.memref_slice %arg4[%add3A_606, %dma_wait3A_613] : memref<32768x1024xf32, #tpu.memory_space<hbm>> -> memref<32x1024xf32, #tpu.memory_space<hbm>>
      %dma_wait3A_615 = tpu.memref_slice %arg11[%dma_wait3A_608] : memref<3x!tpu.dma_semaphore, #tpu.memory_space<semaphore_mem>> -> memref<1x!tpu.dma_semaphore, #tpu.memory_space<semaphore_mem>>
      %dma_wait3A_616 = tpu.memref_squeeze %dma_wait3A_615 : memref<1x!tpu.dma_semaphore, #tpu.memory_space<semaphore_mem>> -> memref<!tpu.dma_semaphore, #tpu.memory_space<semaphore_mem>>
      %dma_wait3A_617 = arith.constant 0 : i32
      %dma_wait3A_618 = tpu.memref_slice %arg4[%add3A_606, %dma_wait3A_617] : memref<32768x1024xf32, #tpu.memory_space<hbm>> -> memref<32x1024xf32, #tpu.memory_space<hbm>>
      %dma_wait3A_619 = arith.constant 0 : i32
      %dma_wait3A_620 = arith.constant 0 : i32
      %dma_wait3A_621 = tpu.memref_slice %arg9[%dma_wait3A_607, %dma_wait3A_619, %dma_wait3A_620] : memref<3x32x1024xf32, #tpu.memory_space<vmem>> -> memref<1x32x1024xf32, #tpu.memory_space<vmem>>
      %dma_wait3A_622 = tpu.memref_squeeze %dma_wait3A_621 : memref<1x32x1024xf32, #tpu.memory_space<vmem>> -> memref<32x1024xf32, #tpu.memory_space<vmem>>
      tpu.wait_dma2 semaphore(%dma_wait3A_616 : memref<!tpu.dma_semaphore, #tpu.memory_space<semaphore_mem>>) src(%dma_wait3A_622 : memref<32x1024xf32, #tpu.memory_space<vmem>>) dst(%dma_wait3A_618 : memref<32x1024xf32, #tpu.memory_space<hbm>>)
      %add3A_623 = arith.constant 2 : i32
      %add3A_624 = arith.addi %add3A_568, %add3A_623 : i32
      %dma_start3A_625 = arith.constant 0 : i32
      %dma_start3A_626 = arith.constant 0 : i32
      %dma_start3A_627 = arith.constant 0 : i32
      %dma_start3A_628 = arith.constant 0 : i32
      %dma_start3A_629 = tpu.memref_slice %arg9[%dma_start3A_625, %dma_start3A_627, %dma_start3A_628] : memref<3x32x1024xf32, #tpu.memory_space<vmem>> -> memref<1x32x1024xf32, #tpu.memory_space<vmem>>
      %dma_start3A_630 = tpu.memref_squeeze %dma_start3A_629 : memref<1x32x1024xf32, #tpu.memory_space<vmem>> -> memref<32x1024xf32, #tpu.memory_space<vmem>>
      %dma_start3A_631 = arith.constant 0 : i32
      %dma_start3A_632 = tpu.memref_slice %arg7[%add3A_624, %dma_start3A_631] : memref<32x32xi32, #tpu.memory_space<vmem>> -> memref<1x32xi32, #tpu.memory_space<vmem>>
      %dma_start3A_633 = tpu.memref_squeeze %dma_start3A_632 : memref<1x32xi32, #tpu.memory_space<vmem>> -> memref<32xi32, #tpu.memory_space<vmem>>
      %dma_start3A_634 = arith.constant 0 : i32
      %dma_start3A_635 = arith.constant 0 : i32
      %dma_start3A_636 = tpu.memref_slice %arg3[%dma_start3A_634, %dma_start3A_635] : memref<16384x1024xf32, #tpu.memory_space<hbm>> -> memref<16384x1024xf32, #tpu.memory_space<hbm>>
      %dma_start3A_637 = tpu.memref_slice %arg10[%dma_start3A_626] : memref<3x!tpu.dma_semaphore, #tpu.memory_space<semaphore_mem>> -> memref<1x!tpu.dma_semaphore, #tpu.memory_space<semaphore_mem>>
      %dma_start3A_638 = tpu.memref_squeeze %dma_start3A_637 : memref<1x!tpu.dma_semaphore, #tpu.memory_space<semaphore_mem>> -> memref<!tpu.dma_semaphore, #tpu.memory_space<semaphore_mem>>
      tpu.enqueue_indirect_dma source(%dma_start3A_636 : memref<16384x1024xf32, #tpu.memory_space<hbm>>) target(%dma_start3A_630 : memref<32x1024xf32, #tpu.memory_space<vmem>>) offsets(%dma_start3A_633 : memref<32xi32, #tpu.memory_space<vmem>>) semaphore(%dma_start3A_638 : memref<!tpu.dma_semaphore, #tpu.memory_space<semaphore_mem>>)
      %mul3A_639 = arith.constant 3 : i32
      %mul3A_640 = arith.muli %scan3A_490, %mul3A_639 : i32
      %add3A_641 = arith.constant 2 : i32
      %add3A_642 = arith.addi %mul3A_640, %add3A_641 : i32
      %dma_wait3A_643 = arith.constant 2 : i32
      %dma_wait3A_644 = arith.constant 2 : i32
      %dma_wait3A_645 = arith.constant 0 : i32
      %dma_wait3A_646 = arith.constant 0 : i32
      %dma_wait3A_647 = tpu.memref_slice %arg9[%dma_wait3A_643, %dma_wait3A_645, %dma_wait3A_646] : memref<3x32x1024xf32, #tpu.memory_space<vmem>> -> memref<1x32x1024xf32, #tpu.memory_space<vmem>>
      %dma_wait3A_648 = tpu.memref_squeeze %dma_wait3A_647 : memref<1x32x1024xf32, #tpu.memory_space<vmem>> -> memref<32x1024xf32, #tpu.memory_space<vmem>>
      %dma_wait3A_649 = arith.constant 0 : i32
      %dma_wait3A_650 = tpu.memref_slice %arg7[%add3A_642, %dma_wait3A_649] : memref<32x32xi32, #tpu.memory_space<vmem>> -> memref<1x32xi32, #tpu.memory_space<vmem>>
      %dma_wait3A_651 = tpu.memref_squeeze %dma_wait3A_650 : memref<1x32xi32, #tpu.memory_space<vmem>> -> memref<32xi32, #tpu.memory_space<vmem>>
      %dma_wait3A_652 = arith.constant 0 : i32
      %dma_wait3A_653 = arith.constant 0 : i32
      %dma_wait3A_654 = tpu.memref_slice %arg3[%dma_wait3A_652, %dma_wait3A_653] : memref<16384x1024xf32, #tpu.memory_space<hbm>> -> memref<16384x1024xf32, #tpu.memory_space<hbm>>
      %dma_wait3A_655 = tpu.memref_slice %arg10[%dma_wait3A_644] : memref<3x!tpu.dma_semaphore, #tpu.memory_space<semaphore_mem>> -> memref<1x!tpu.dma_semaphore, #tpu.memory_space<semaphore_mem>>
      %dma_wait3A_656 = tpu.memref_squeeze %dma_wait3A_655 : memref<1x!tpu.dma_semaphore, #tpu.memory_space<semaphore_mem>> -> memref<!tpu.dma_semaphore, #tpu.memory_space<semaphore_mem>>
      tpu.wait_indirect_dma semaphore(%dma_wait3A_656 : memref<!tpu.dma_semaphore, #tpu.memory_space<semaphore_mem>>) src(%dma_wait3A_654 : memref<16384x1024xf32, #tpu.memory_space<hbm>>) dst(%dma_wait3A_648 : memref<32x1024xf32, #tpu.memory_space<vmem>>)
      %mul3A_657 = arith.constant 32 : i32
      %mul3A_658 = arith.muli %add3A_642, %mul3A_657 : i32
      %add3A_659 = arith.addi %mul3A_5, %mul3A_658 : i32
      %dma_start3A_660 = arith.constant 2 : i32
      %dma_start3A_661 = arith.constant 2 : i32
      %dma_start3A_662 = arith.constant 0 : i32
      %dma_start3A_663 = arith.constant 0 : i32
      %dma_start3A_664 = tpu.memref_slice %arg9[%dma_start3A_660, %dma_start3A_662, %dma_start3A_663] : memref<3x32x1024xf32, #tpu.memory_space<vmem>> -> memref<1x32x1024xf32, #tpu.memory_space<vmem>>
      %dma_start3A_665 = tpu.memref_squeeze %dma_start3A_664 : memref<1x32x1024xf32, #tpu.memory_space<vmem>> -> memref<32x1024xf32, #tpu.memory_space<vmem>>
      %dma_start3A_666 = arith.constant 0 : i32
      %dma_start3A_667 = tpu.memref_slice %arg4[%add3A_659, %dma_start3A_666] : memref<32768x1024xf32, #tpu.memory_space<hbm>> -> memref<32x1024xf32, #tpu.memory_space<hbm>>
      %dma_start3A_668 = tpu.memref_slice %arg11[%dma_start3A_661] : memref<3x!tpu.dma_semaphore, #tpu.memory_space<semaphore_mem>> -> memref<1x!tpu.dma_semaphore, #tpu.memory_space<semaphore_mem>>
      %dma_start3A_669 = tpu.memref_squeeze %dma_start3A_668 : memref<1x!tpu.dma_semaphore, #tpu.memory_space<semaphore_mem>> -> memref<!tpu.dma_semaphore, #tpu.memory_space<semaphore_mem>>
      %dma_start3A_670 = arith.constant 0 : i32
      %dma_start3A_671 = tpu.memref_slice %arg4[%add3A_659, %dma_start3A_670] : memref<32768x1024xf32, #tpu.memory_space<hbm>> -> memref<32x1024xf32, #tpu.memory_space<hbm>>
      %dma_start3A_672 = arith.constant 0 : i32
      %dma_start3A_673 = arith.constant 0 : i32
      %dma_start3A_674 = tpu.memref_slice %arg9[%dma_start3A_660, %dma_start3A_672, %dma_start3A_673] : memref<3x32x1024xf32, #tpu.memory_space<vmem>> -> memref<1x32x1024xf32, #tpu.memory_space<vmem>>
      %dma_start3A_675 = tpu.memref_squeeze %dma_start3A_674 : memref<1x32x1024xf32, #tpu.memory_space<vmem>> -> memref<32x1024xf32, #tpu.memory_space<vmem>>
      tpu.enqueue_dma source(%dma_start3A_675 : memref<32x1024xf32, #tpu.memory_space<vmem>>) target(%dma_start3A_671 : memref<32x1024xf32, #tpu.memory_space<hbm>>) target_semaphore(%dma_start3A_669 : memref<!tpu.dma_semaphore, #tpu.memory_space<semaphore_mem>>)
      %sub3A_676 = arith.constant 1 : i32
      %sub3A_677 = arith.subi %add3A_642, %sub3A_676 : i32
      %mul3A_678 = arith.constant 32 : i32
      %mul3A_679 = arith.muli %sub3A_677, %mul3A_678 : i32
      %add3A_680 = arith.addi %mul3A_5, %mul3A_679 : i32
      %dma_wait3A_681 = arith.constant 1 : i32
      %dma_wait3A_682 = arith.constant 1 : i32
      %dma_wait3A_683 = arith.constant 0 : i32
      %dma_wait3A_684 = arith.constant 0 : i32
      %dma_wait3A_685 = tpu.memref_slice %arg9[%dma_wait3A_681, %dma_wait3A_683, %dma_wait3A_684] : memref<3x32x1024xf32, #tpu.memory_space<vmem>> -> memref<1x32x1024xf32, #tpu.memory_space<vmem>>
      %dma_wait3A_686 = tpu.memref_squeeze %dma_wait3A_685 : memref<1x32x1024xf32, #tpu.memory_space<vmem>> -> memref<32x1024xf32, #tpu.memory_space<vmem>>
      %dma_wait3A_687 = arith.constant 0 : i32
      %dma_wait3A_688 = tpu.memref_slice %arg4[%add3A_680, %dma_wait3A_687] : memref<32768x1024xf32, #tpu.memory_space<hbm>> -> memref<32x1024xf32, #tpu.memory_space<hbm>>
      %dma_wait3A_689 = tpu.memref_slice %arg11[%dma_wait3A_682] : memref<3x!tpu.dma_semaphore, #tpu.memory_space<semaphore_mem>> -> memref<1x!tpu.dma_semaphore, #tpu.memory_space<semaphore_mem>>
      %dma_wait3A_690 = tpu.memref_squeeze %dma_wait3A_689 : memref<1x!tpu.dma_semaphore, #tpu.memory_space<semaphore_mem>> -> memref<!tpu.dma_semaphore, #tpu.memory_space<semaphore_mem>>
      %dma_wait3A_691 = arith.constant 0 : i32
      %dma_wait3A_692 = tpu.memref_slice %arg4[%add3A_680, %dma_wait3A_691] : memref<32768x1024xf32, #tpu.memory_space<hbm>> -> memref<32x1024xf32, #tpu.memory_space<hbm>>
      %dma_wait3A_693 = arith.constant 0 : i32
      %dma_wait3A_694 = arith.constant 0 : i32
      %dma_wait3A_695 = tpu.memref_slice %arg9[%dma_wait3A_681, %dma_wait3A_693, %dma_wait3A_694] : memref<3x32x1024xf32, #tpu.memory_space<vmem>> -> memref<1x32x1024xf32, #tpu.memory_space<vmem>>
      %dma_wait3A_696 = tpu.memref_squeeze %dma_wait3A_695 : memref<1x32x1024xf32, #tpu.memory_space<vmem>> -> memref<32x1024xf32, #tpu.memory_space<vmem>>
      tpu.wait_dma2 semaphore(%dma_wait3A_690 : memref<!tpu.dma_semaphore, #tpu.memory_space<semaphore_mem>>) src(%dma_wait3A_696 : memref<32x1024xf32, #tpu.memory_space<vmem>>) dst(%dma_wait3A_692 : memref<32x1024xf32, #tpu.memory_space<hbm>>)
      %add3A_697 = arith.constant 2 : i32
      %add3A_698 = arith.addi %add3A_642, %add3A_697 : i32
      %dma_start3A_699 = arith.constant 1 : i32
      %dma_start3A_700 = arith.constant 1 : i32
      %dma_start3A_701 = arith.constant 0 : i32
      %dma_start3A_702 = arith.constant 0 : i32
      %dma_start3A_703 = tpu.memref_slice %arg9[%dma_start3A_699, %dma_start3A_701, %dma_start3A_702] : memref<3x32x1024xf32, #tpu.memory_space<vmem>> -> memref<1x32x1024xf32, #tpu.memory_space<vmem>>
      %dma_start3A_704 = tpu.memref_squeeze %dma_start3A_703 : memref<1x32x1024xf32, #tpu.memory_space<vmem>> -> memref<32x1024xf32, #tpu.memory_space<vmem>>
      %dma_start3A_705 = arith.constant 0 : i32
      %dma_start3A_706 = tpu.memref_slice %arg7[%add3A_698, %dma_start3A_705] : memref<32x32xi32, #tpu.memory_space<vmem>> -> memref<1x32xi32, #tpu.memory_space<vmem>>
      %dma_start3A_707 = tpu.memref_squeeze %dma_start3A_706 : memref<1x32xi32, #tpu.memory_space<vmem>> -> memref<32xi32, #tpu.memory_space<vmem>>
      %dma_start3A_708 = arith.constant 0 : i32
      %dma_start3A_709 = arith.constant 0 : i32
      %dma_start3A_710 = tpu.memref_slice %arg3[%dma_start3A_708, %dma_start3A_709] : memref<16384x1024xf32, #tpu.memory_space<hbm>> -> memref<16384x1024xf32, #tpu.memory_space<hbm>>
      %dma_start3A_711 = tpu.memref_slice %arg10[%dma_start3A_700] : memref<3x!tpu.dma_semaphore, #tpu.memory_space<semaphore_mem>> -> memref<1x!tpu.dma_semaphore, #tpu.memory_space<semaphore_mem>>
      %dma_start3A_712 = tpu.memref_squeeze %dma_start3A_711 : memref<1x!tpu.dma_semaphore, #tpu.memory_space<semaphore_mem>> -> memref<!tpu.dma_semaphore, #tpu.memory_space<semaphore_mem>>
      tpu.enqueue_indirect_dma source(%dma_start3A_710 : memref<16384x1024xf32, #tpu.memory_space<hbm>>) target(%dma_start3A_704 : memref<32x1024xf32, #tpu.memory_space<vmem>>) offsets(%dma_start3A_707 : memref<32xi32, #tpu.memory_space<vmem>>) semaphore(%dma_start3A_712 : memref<!tpu.dma_semaphore, #tpu.memory_space<semaphore_mem>>)
    }
    %scan3A_369 = arith.constant 9 : i32
    %dma_wait3A_370 = arith.constant 30 : i32
    %dma_wait3A_371 = arith.constant 0 : i32
    %dma_wait3A_372 = arith.constant 0 : i32
    %dma_wait3A_373 = arith.constant 0 : i32
    %dma_wait3A_374 = arith.constant 0 : i32
    %dma_wait3A_375 = tpu.memref_slice %arg9[%dma_wait3A_371, %dma_wait3A_373, %dma_wait3A_374] : memref<3x32x1024xf32, #tpu.memory_space<vmem>> -> memref<1x32x1024xf32, #tpu.memory_space<vmem>>
    %dma_wait3A_376 = tpu.memref_squeeze %dma_wait3A_375 : memref<1x32x1024xf32, #tpu.memory_space<vmem>> -> memref<32x1024xf32, #tpu.memory_space<vmem>>
    %dma_wait3A_377 = arith.constant 0 : i32
    %dma_wait3A_378 = tpu.memref_slice %arg7[%dma_wait3A_370, %dma_wait3A_377] : memref<32x32xi32, #tpu.memory_space<vmem>> -> memref<1x32xi32, #tpu.memory_space<vmem>>
    %dma_wait3A_379 = tpu.memref_squeeze %dma_wait3A_378 : memref<1x32xi32, #tpu.memory_space<vmem>> -> memref<32xi32, #tpu.memory_space<vmem>>
    %dma_wait3A_380 = arith.constant 0 : i32
    %dma_wait3A_381 = arith.constant 0 : i32
    %dma_wait3A_382 = tpu.memref_slice %arg3[%dma_wait3A_380, %dma_wait3A_381] : memref<16384x1024xf32, #tpu.memory_space<hbm>> -> memref<16384x1024xf32, #tpu.memory_space<hbm>>
    %dma_wait3A_383 = tpu.memref_slice %arg10[%dma_wait3A_372] : memref<3x!tpu.dma_semaphore, #tpu.memory_space<semaphore_mem>> -> memref<1x!tpu.dma_semaphore, #tpu.memory_space<semaphore_mem>>
    %dma_wait3A_384 = tpu.memref_squeeze %dma_wait3A_383 : memref<1x!tpu.dma_semaphore, #tpu.memory_space<semaphore_mem>> -> memref<!tpu.dma_semaphore, #tpu.memory_space<semaphore_mem>>
    tpu.wait_indirect_dma semaphore(%dma_wait3A_384 : memref<!tpu.dma_semaphore, #tpu.memory_space<semaphore_mem>>) src(%dma_wait3A_382 : memref<16384x1024xf32, #tpu.memory_space<hbm>>) dst(%dma_wait3A_376 : memref<32x1024xf32, #tpu.memory_space<vmem>>)
    %add3A_385 = arith.constant 960 : i32
    %add3A_386 = arith.addi %mul3A_5, %add3A_385 : i32
    %dma_start3A_387 = arith.constant 0 : i32
    %dma_start3A_388 = arith.constant 0 : i32
    %dma_start3A_389 = arith.constant 0 : i32
    %dma_start3A_390 = arith.constant 0 : i32
    %dma_start3A_391 = tpu.memref_slice %arg9[%dma_start3A_387, %dma_start3A_389, %dma_start3A_390] : memref<3x32x1024xf32, #tpu.memory_space<vmem>> -> memref<1x32x1024xf32, #tpu.memory_space<vmem>>
    %dma_start3A_392 = tpu.memref_squeeze %dma_start3A_391 : memref<1x32x1024xf32, #tpu.memory_space<vmem>> -> memref<32x1024xf32, #tpu.memory_space<vmem>>
    %dma_start3A_393 = arith.constant 0 : i32
    %dma_start3A_394 = tpu.memref_slice %arg4[%add3A_386, %dma_start3A_393] : memref<32768x1024xf32, #tpu.memory_space<hbm>> -> memref<32x1024xf32, #tpu.memory_space<hbm>>
    %dma_start3A_395 = tpu.memref_slice %arg11[%dma_start3A_388] : memref<3x!tpu.dma_semaphore, #tpu.memory_space<semaphore_mem>> -> memref<1x!tpu.dma_semaphore, #tpu.memory_space<semaphore_mem>>
    %dma_start3A_396 = tpu.memref_squeeze %dma_start3A_395 : memref<1x!tpu.dma_semaphore, #tpu.memory_space<semaphore_mem>> -> memref<!tpu.dma_semaphore, #tpu.memory_space<semaphore_mem>>
    %dma_start3A_397 = arith.constant 0 : i32
    %dma_start3A_398 = tpu.memref_slice %arg4[%add3A_386, %dma_start3A_397] : memref<32768x1024xf32, #tpu.memory_space<hbm>> -> memref<32x1024xf32, #tpu.memory_space<hbm>>
    %dma_start3A_399 = arith.constant 0 : i32
    %dma_start3A_400 = arith.constant 0 : i32
    %dma_start3A_401 = tpu.memref_slice %arg9[%dma_start3A_387, %dma_start3A_399, %dma_start3A_400] : memref<3x32x1024xf32, #tpu.memory_space<vmem>> -> memref<1x32x1024xf32, #tpu.memory_space<vmem>>
    %dma_start3A_402 = tpu.memref_squeeze %dma_start3A_401 : memref<1x32x1024xf32, #tpu.memory_space<vmem>> -> memref<32x1024xf32, #tpu.memory_space<vmem>>
    tpu.enqueue_dma source(%dma_start3A_402 : memref<32x1024xf32, #tpu.memory_space<vmem>>) target(%dma_start3A_398 : memref<32x1024xf32, #tpu.memory_space<hbm>>) target_semaphore(%dma_start3A_396 : memref<!tpu.dma_semaphore, #tpu.memory_space<semaphore_mem>>)
    %dma_wait3A_403 = arith.constant 31 : i32
    %dma_wait3A_404 = arith.constant 1 : i32
    %dma_wait3A_405 = arith.constant 1 : i32
    %dma_wait3A_406 = arith.constant 0 : i32
    %dma_wait3A_407 = arith.constant 0 : i32
    %dma_wait3A_408 = tpu.memref_slice %arg9[%dma_wait3A_404, %dma_wait3A_406, %dma_wait3A_407] : memref<3x32x1024xf32, #tpu.memory_space<vmem>> -> memref<1x32x1024xf32, #tpu.memory_space<vmem>>
    %dma_wait3A_409 = tpu.memref_squeeze %dma_wait3A_408 : memref<1x32x1024xf32, #tpu.memory_space<vmem>> -> memref<32x1024xf32, #tpu.memory_space<vmem>>
    %dma_wait3A_410 = arith.constant 0 : i32
    %dma_wait3A_411 = tpu.memref_slice %arg7[%dma_wait3A_403, %dma_wait3A_410] : memref<32x32xi32, #tpu.memory_space<vmem>> -> memref<1x32xi32, #tpu.memory_space<vmem>>
    %dma_wait3A_412 = tpu.memref_squeeze %dma_wait3A_411 : memref<1x32xi32, #tpu.memory_space<vmem>> -> memref<32xi32, #tpu.memory_space<vmem>>
    %dma_wait3A_413 = arith.constant 0 : i32
    %dma_wait3A_414 = arith.constant 0 : i32
    %dma_wait3A_415 = tpu.memref_slice %arg3[%dma_wait3A_413, %dma_wait3A_414] : memref<16384x1024xf32, #tpu.memory_space<hbm>> -> memref<16384x1024xf32, #tpu.memory_space<hbm>>
    %dma_wait3A_416 = tpu.memref_slice %arg10[%dma_wait3A_405] : memref<3x!tpu.dma_semaphore, #tpu.memory_space<semaphore_mem>> -> memref<1x!tpu.dma_semaphore, #tpu.memory_space<semaphore_mem>>
    %dma_wait3A_417 = tpu.memref_squeeze %dma_wait3A_416 : memref<1x!tpu.dma_semaphore, #tpu.memory_space<semaphore_mem>> -> memref<!tpu.dma_semaphore, #tpu.memory_space<semaphore_mem>>
    tpu.wait_indirect_dma semaphore(%dma_wait3A_417 : memref<!tpu.dma_semaphore, #tpu.memory_space<semaphore_mem>>) src(%dma_wait3A_415 : memref<16384x1024xf32, #tpu.memory_space<hbm>>) dst(%dma_wait3A_409 : memref<32x1024xf32, #tpu.memory_space<vmem>>)
    %add3A_418 = arith.constant 992 : i32
    %add3A_419 = arith.addi %mul3A_5, %add3A_418 : i32
    %dma_start3A_420 = arith.constant 1 : i32
    %dma_start3A_421 = arith.constant 1 : i32
    %dma_start3A_422 = arith.constant 0 : i32
    %dma_start3A_423 = arith.constant 0 : i32
    %dma_start3A_424 = tpu.memref_slice %arg9[%dma_start3A_420, %dma_start3A_422, %dma_start3A_423] : memref<3x32x1024xf32, #tpu.memory_space<vmem>> -> memref<1x32x1024xf32, #tpu.memory_space<vmem>>
    %dma_start3A_425 = tpu.memref_squeeze %dma_start3A_424 : memref<1x32x1024xf32, #tpu.memory_space<vmem>> -> memref<32x1024xf32, #tpu.memory_space<vmem>>
    %dma_start3A_426 = arith.constant 0 : i32
    %dma_start3A_427 = tpu.memref_slice %arg4[%add3A_419, %dma_start3A_426] : memref<32768x1024xf32, #tpu.memory_space<hbm>> -> memref<32x1024xf32, #tpu.memory_space<hbm>>
    %dma_start3A_428 = tpu.memref_slice %arg11[%dma_start3A_421] : memref<3x!tpu.dma_semaphore, #tpu.memory_space<semaphore_mem>> -> memref<1x!tpu.dma_semaphore, #tpu.memory_space<semaphore_mem>>
    %dma_start3A_429 = tpu.memref_squeeze %dma_start3A_428 : memref<1x!tpu.dma_semaphore, #tpu.memory_space<semaphore_mem>> -> memref<!tpu.dma_semaphore, #tpu.memory_space<semaphore_mem>>
    %dma_start3A_430 = arith.constant 0 : i32
    %dma_start3A_431 = tpu.memref_slice %arg4[%add3A_419, %dma_start3A_430] : memref<32768x1024xf32, #tpu.memory_space<hbm>> -> memref<32x1024xf32, #tpu.memory_space<hbm>>
    %dma_start3A_432 = arith.constant 0 : i32
    %dma_start3A_433 = arith.constant 0 : i32
    %dma_start3A_434 = tpu.memref_slice %arg9[%dma_start3A_420, %dma_start3A_432, %dma_start3A_433] : memref<3x32x1024xf32, #tpu.memory_space<vmem>> -> memref<1x32x1024xf32, #tpu.memory_space<vmem>>
    %dma_start3A_435 = tpu.memref_squeeze %dma_start3A_434 : memref<1x32x1024xf32, #tpu.memory_space<vmem>> -> memref<32x1024xf32, #tpu.memory_space<vmem>>
    tpu.enqueue_dma source(%dma_start3A_435 : memref<32x1024xf32, #tpu.memory_space<vmem>>) target(%dma_start3A_431 : memref<32x1024xf32, #tpu.memory_space<hbm>>) target_semaphore(%dma_start3A_429 : memref<!tpu.dma_semaphore, #tpu.memory_space<semaphore_mem>>)
    %add3A_436 = arith.constant 928 : i32
    %add3A_437 = arith.addi %mul3A_5, %add3A_436 : i32
    %dma_wait3A_438 = arith.constant 2 : i32
    %dma_wait3A_439 = arith.constant 2 : i32
    %dma_wait3A_440 = arith.constant 0 : i32
    %dma_wait3A_441 = arith.constant 0 : i32
    %dma_wait3A_442 = tpu.memref_slice %arg9[%dma_wait3A_438, %dma_wait3A_440, %dma_wait3A_441] : memref<3x32x1024xf32, #tpu.memory_space<vmem>> -> memref<1x32x1024xf32, #tpu.memory_space<vmem>>
    %dma_wait3A_443 = tpu.memref_squeeze %dma_wait3A_442 : memref<1x32x1024xf32, #tpu.memory_space<vmem>> -> memref<32x1024xf32, #tpu.memory_space<vmem>>
    %dma_wait3A_444 = arith.constant 0 : i32
    %dma_wait3A_445 = tpu.memref_slice %arg4[%add3A_437, %dma_wait3A_444] : memref<32768x1024xf32, #tpu.memory_space<hbm>> -> memref<32x1024xf32, #tpu.memory_space<hbm>>
    %dma_wait3A_446 = tpu.memref_slice %arg11[%dma_wait3A_439] : memref<3x!tpu.dma_semaphore, #tpu.memory_space<semaphore_mem>> -> memref<1x!tpu.dma_semaphore, #tpu.memory_space<semaphore_mem>>
    %dma_wait3A_447 = tpu.memref_squeeze %dma_wait3A_446 : memref<1x!tpu.dma_semaphore, #tpu.memory_space<semaphore_mem>> -> memref<!tpu.dma_semaphore, #tpu.memory_space<semaphore_mem>>
    %dma_wait3A_448 = arith.constant 0 : i32
    %dma_wait3A_449 = tpu.memref_slice %arg4[%add3A_437, %dma_wait3A_448] : memref<32768x1024xf32, #tpu.memory_space<hbm>> -> memref<32x1024xf32, #tpu.memory_space<hbm>>
    %dma_wait3A_450 = arith.constant 0 : i32
    %dma_wait3A_451 = arith.constant 0 : i32
    %dma_wait3A_452 = tpu.memref_slice %arg9[%dma_wait3A_438, %dma_wait3A_450, %dma_wait3A_451] : memref<3x32x1024xf32, #tpu.memory_space<vmem>> -> memref<1x32x1024xf32, #tpu.memory_space<vmem>>
    %dma_wait3A_453 = tpu.memref_squeeze %dma_wait3A_452 : memref<1x32x1024xf32, #tpu.memory_space<vmem>> -> memref<32x1024xf32, #tpu.memory_space<vmem>>
    tpu.wait_dma2 semaphore(%dma_wait3A_447 : memref<!tpu.dma_semaphore, #tpu.memory_space<semaphore_mem>>) src(%dma_wait3A_453 : memref<32x1024xf32, #tpu.memory_space<vmem>>) dst(%dma_wait3A_449 : memref<32x1024xf32, #tpu.memory_space<hbm>>)
    %add3A_454 = arith.constant 960 : i32
    %add3A_455 = arith.addi %mul3A_5, %add3A_454 : i32
    %dma_wait3A_456 = arith.constant 0 : i32
    %dma_wait3A_457 = arith.constant 0 : i32
    %dma_wait3A_458 = arith.constant 0 : i32
    %dma_wait3A_459 = arith.constant 0 : i32
    %dma_wait3A_460 = tpu.memref_slice %arg9[%dma_wait3A_456, %dma_wait3A_458, %dma_wait3A_459] : memref<3x32x1024xf32, #tpu.memory_space<vmem>> -> memref<1x32x1024xf32, #tpu.memory_space<vmem>>
    %dma_wait3A_461 = tpu.memref_squeeze %dma_wait3A_460 : memref<1x32x1024xf32, #tpu.memory_space<vmem>> -> memref<32x1024xf32, #tpu.memory_space<vmem>>
    %dma_wait3A_462 = arith.constant 0 : i32
    %dma_wait3A_463 = tpu.memref_slice %arg4[%add3A_455, %dma_wait3A_462] : memref<32768x1024xf32, #tpu.memory_space<hbm>> -> memref<32x1024xf32, #tpu.memory_space<hbm>>
    %dma_wait3A_464 = tpu.memref_slice %arg11[%dma_wait3A_457] : memref<3x!tpu.dma_semaphore, #tpu.memory_space<semaphore_mem>> -> memref<1x!tpu.dma_semaphore, #tpu.memory_space<semaphore_mem>>
    %dma_wait3A_465 = tpu.memref_squeeze %dma_wait3A_464 : memref<1x!tpu.dma_semaphore, #tpu.memory_space<semaphore_mem>> -> memref<!tpu.dma_semaphore, #tpu.memory_space<semaphore_mem>>
    %dma_wait3A_466 = arith.constant 0 : i32
    %dma_wait3A_467 = tpu.memref_slice %arg4[%add3A_455, %dma_wait3A_466] : memref<32768x1024xf32, #tpu.memory_space<hbm>> -> memref<32x1024xf32, #tpu.memory_space<hbm>>
    %dma_wait3A_468 = arith.constant 0 : i32
    %dma_wait3A_469 = arith.constant 0 : i32
    %dma_wait3A_470 = tpu.memref_slice %arg9[%dma_wait3A_456, %dma_wait3A_468, %dma_wait3A_469] : memref<3x32x1024xf32, #tpu.memory_space<vmem>> -> memref<1x32x1024xf32, #tpu.memory_space<vmem>>
    %dma_wait3A_471 = tpu.memref_squeeze %dma_wait3A_470 : memref<1x32x1024xf32, #tpu.memory_space<vmem>> -> memref<32x1024xf32, #tpu.memory_space<vmem>>
    tpu.wait_dma2 semaphore(%dma_wait3A_465 : memref<!tpu.dma_semaphore, #tpu.memory_space<semaphore_mem>>) src(%dma_wait3A_471 : memref<32x1024xf32, #tpu.memory_space<vmem>>) dst(%dma_wait3A_467 : memref<32x1024xf32, #tpu.memory_space<hbm>>)
    %add3A_472 = arith.constant 992 : i32
    %add3A_473 = arith.addi %mul3A_5, %add3A_472 : i32
    %dma_wait3A_474 = arith.constant 1 : i32
    %dma_wait3A_475 = arith.constant 1 : i32
    %dma_wait3A_476 = arith.constant 0 : i32
    %dma_wait3A_477 = arith.constant 0 : i32
    %dma_wait3A_478 = tpu.memref_slice %arg9[%dma_wait3A_474, %dma_wait3A_476, %dma_wait3A_477] : memref<3x32x1024xf32, #tpu.memory_space<vmem>> -> memref<1x32x1024xf32, #tpu.memory_space<vmem>>
    %dma_wait3A_479 = tpu.memref_squeeze %dma_wait3A_478 : memref<1x32x1024xf32, #tpu.memory_space<vmem>> -> memref<32x1024xf32, #tpu.memory_space<vmem>>
    %dma_wait3A_480 = arith.constant 0 : i32
    %dma_wait3A_481 = tpu.memref_slice %arg4[%add3A_473, %dma_wait3A_480] : memref<32768x1024xf32, #tpu.memory_space<hbm>> -> memref<32x1024xf32, #tpu.memory_space<hbm>>
    %dma_wait3A_482 = tpu.memref_slice %arg11[%dma_wait3A_475] : memref<3x!tpu.dma_semaphore, #tpu.memory_space<semaphore_mem>> -> memref<1x!tpu.dma_semaphore, #tpu.memory_space<semaphore_mem>>
    %dma_wait3A_483 = tpu.memref_squeeze %dma_wait3A_482 : memref<1x!tpu.dma_semaphore, #tpu.memory_space<semaphore_mem>> -> memref<!tpu.dma_semaphore, #tpu.memory_space<semaphore_mem>>
    %dma_wait3A_484 = arith.constant 0 : i32
    %dma_wait3A_485 = tpu.memref_slice %arg4[%add3A_473, %dma_wait3A_484] : memref<32768x1024xf32, #tpu.memory_space<hbm>> -> memref<32x1024xf32, #tpu.memory_space<hbm>>
    %dma_wait3A_486 = arith.constant 0 : i32
    %dma_wait3A_487 = arith.constant 0 : i32
    %dma_wait3A_488 = tpu.memref_slice %arg9[%dma_wait3A_474, %dma_wait3A_486, %dma_wait3A_487] : memref<3x32x1024xf32, #tpu.memory_space<vmem>> -> memref<1x32x1024xf32, #tpu.memory_space<vmem>>
    %dma_wait3A_489 = tpu.memref_squeeze %dma_wait3A_488 : memref<1x32x1024xf32, #tpu.memory_space<vmem>> -> memref<32x1024xf32, #tpu.memory_space<vmem>>
    tpu.wait_dma2 semaphore(%dma_wait3A_483 : memref<!tpu.dma_semaphore, #tpu.memory_space<semaphore_mem>>) src(%dma_wait3A_489 : memref<32x1024xf32, #tpu.memory_space<vmem>>) dst(%dma_wait3A_485 : memref<32x1024xf32, #tpu.memory_space<hbm>>)
    return
  }
}

</mosaic_0001>

<sc_bundles>
// kernel: kernel.3.cloned.1.call-start
scs
__scs_entry_jumppad:
0x0: {  	(pc) =	sbr.rel $0x88, $3  }
0x1: {  	(tag) =	ssettag $0x0;
	lr =	simm.s32 $0x1  }
0x2: {  	[smem:$0x3F9F] =	sst lr;
	_ =	strace $0xD0000000  }
0x3: {  	_ = 	snop  }
0x4: {  	_ = 	snop  }
0x5: {  	_ = 	snop  }
0x6: {  	_ = 	snop  }
0x7: {  	_ = 	snop  }
__scs_overlays_trampoline_lowered:
0x8: {  	[smem:$0x3FAE] =	sst s0  }
0x9: {  	[smem:$0x3FAF] =	sst s1  }
0xa: {  	[smem:$0x3FB0] =	sst s2  }
0xb: {  	[smem:$0x3FB1] =	sst s3  }
0xc: {  	[smem:$0x3FB2] =	sst s4  }
0xd: {  	[smem:$0x3FB3] =	sst s5  }
0xe: {  	[smem:$0x3FB4] =	sst s6  }
0xf: {  	[smem:$0x3FB5] =	sst s7  }
0x10: {  	[smem:$0x3FB6] =	sst s8  }
0x11: {  	[smem:$0x3FB7] =	sst s9;
	s0 =	simm.s32 @!p0 $0x0  }
0x12: {  	s1 =	sld [smem:$0x3F9D];
	s0 =	simm.s32 @p0 $0x1  }
0x13: {  	[smem:$0x3FB8] =	sst s0;
	s0 =	simm.s32 @!p1 $0x0  }
0x14: {  	s2 =	sld [smem:$0x3F9C];
	s0 =	simm.s32 @p1 $0x1  }
0x15: {  	[smem:$0x3FB9] =	sst s0;
	s0 =	simm.s32 @!p2 $0x0  }
0x16: {  	s3 =	sld [smem:$0x3FDB];
	s0 =	simm.s32 @p2 $0x1  }
0x17: {  	s4 =	simm.s32 $0x1BF5;
	[smem:$0x3FBB] =	sst s0  }
0x18: {  	s0 =	sld [smem:$0x3F9E];
	_ =	swait.ge [sflag:s4], $0x0  }
0x19: {  	s7 =	sld [smem:$0x3F9F]  }
0x1a: {  	s8 =	sadd.s32 $0xFFFFE003, lr  }
0x1b: {  	s9 =	sadd.s32 $0xFFFFFEF7, lr;
	s5 =	simm.s32 $0xFFFFFFFF;
	p2 =	slt.u32 s8, $0xFFFFF086  }
0x1c: {  	p1 =	slt.u32 s9, $0xF7A;
	s5 =	simm.s32 @!p2 $0x0  }
0x1d: {  	s5 =	simm.s32 @p1 $0x1;
	p0 =	seq.s32 s7, s2  }
0x1e: {  	s7 =	smul.u32 @!p0 $0xF7A, s2;
	p2 =	seq.s32 @!p0 s5, $0x0  }
0x1f: {  	s9 =	smul.u32 $0xF7A, s1;
	s8 =	simm.s32 @!p0 $0x1BF5;
	p2 =	por !p2, p0  }
0x20: {  	[sflag:s8] =	ssyncset.s32 @!p0 $0xFFFFF086;
	s6 =	sadd.s32 @!p0 s3, s7;
	s7 =	simm.s32 @!p0 $0x108  }
0x21: {  	s3 =	sadd.s32 s3, s9;
	s6 =	sadd.s32 @!p0 $0x88, s6;
	s7 =	simm.s32 @p2 $0x1082  }
0x22: {  	[simem:s7], [sflag:s8] =	dma.local @!p0 [hbm:s6], $0xF7A  }
0x23: {  	s9 =	sor.u32 $0xD0000000, s2;
	s6 =	simm.s32 $0x108;
	_ =	swait.ge @!p0 [sflag:s8], $0x0  }
0x24: {  	s3 =	sadd.s32 $0x88, s3;
	s6 =	simm.s32 @!p1 $0x1082;
	[sflag:s4] =	ssyncset.s32 $0xFFFFF086  }
0x25: {  	[simem:s6], [sflag:s4] =	dma.local [hbm:s3], $0xF7A  }
0x26: {  	[smem:$0x3F9F] =	sst s1;
	(tag) =	ssettag s2;
	_ =	strace s9  }
0x27: {  	s1 =	sld [smem:$0x3FAF]  }
0x28: {  	s2 =	sld [smem:$0x3FB0]  }
0x29: {  	s4 =	sld [smem:$0x3FB2]  }
0x2a: {  	p0 =	seq.s32 s5, $0x0;
	s5 =	sld [smem:$0x3FB3]  }
0x2b: {  	s6 =	sld [smem:$0x3FB4]  }
0x2c: {  	s7 =	sld [smem:$0x3FB5]  }
0x2d: {  	s3 =	simm.s32 $0x108;
	s8 =	sld [smem:$0x3FB6]  }
0x2e: {  	s3 =	simm.s32 @!p0 $0x1082;
	s9 =	sld [smem:$0x3FB7]  }
0x2f: {  	lr =	sadd.s32 s0, s3;
	s0 =	sld [smem:$0x3FAE]  }
0x30: {  	s3 =	sld [smem:$0x3FB1]  }
0x31: {  	[smem:$0x3FBA] =	sst s10  }
0x32: {  	s10 =	sld [smem:$0x3FB8];
	_ =	sdelay $0x3  }
0x33: {  	p0 =	seq.s32 s10, $0x1;
	s10 =	sld [smem:$0x3FBA];
	_ =	sdelay $0x3  }
0x34: {  	[smem:$0x3FBA] =	sst s10  }
0x35: {  	s10 =	sld [smem:$0x3FB9];
	_ =	sdelay $0x3  }
0x36: {  	p1 =	seq.s32 s10, $0x1;
	s10 =	sld [smem:$0x3FBA];
	_ =	sdelay $0x3  }
0x37: {  	[smem:$0x3FBA] =	sst s10  }
0x38: {  	s10 =	sld [smem:$0x3FBB]  }
0x39: {  	_ = 	snop;
	(pc) =	sbr.ind lr, $3  }
0x3a: {  	_ = 	snop  }
0x3b: {  	_ = 	snop  }
0x3c: {  	p2 =	seq.s32 s10, $0x1;
	s10 =	sld [smem:$0x3FBA]  }
0x3d: {  	_ =	shalt  }
0x3e: {  	_ =	shalt  }
0x3f: {  	_ =	shalt  }
0x40: {  	_ =	shalt  }
0x41: {  	_ =	shalt  }
0x42: {  	_ =	shalt  }
0x43: {  	_ =	shalt  }
0x44: {  	_ =	shalt  }
0x45: {  	_ =	shalt  }
0x46: {  	_ =	shalt  }
0x47: {  	_ =	shalt  }
0x48: {  	_ =	shalt  }
0x49: {  	_ =	shalt  }
0x4a: {  	_ =	shalt  }
0x4b: {  	_ =	shalt  }
0x4c: {  	_ =	shalt  }
0x4d: {  	_ =	shalt  }
0x4e: {  	_ =	shalt  }
0x4f: {  	_ =	shalt  }
0x50: {  	_ =	shalt  }
0x51: {  	_ =	shalt  }
0x52: {  	_ =	shalt  }
0x53: {  	_ =	shalt  }
0x54: {  	_ =	shalt  }
0x55: {  	_ =	shalt  }
0x56: {  	_ =	shalt  }
0x57: {  	_ =	shalt  }
0x58: {  	_ =	shalt  }
0x59: {  	_ =	shalt  }
0x5a: {  	_ =	shalt  }
0x5b: {  	_ =	shalt  }
0x5c: {  	_ =	shalt  }
0x5d: {  	_ =	shalt  }
0x5e: {  	_ =	shalt  }
0x5f: {  	_ =	shalt  }
0x60: {  	_ =	shalt  }
0x61: {  	_ =	shalt  }
0x62: {  	_ =	shalt  }
0x63: {  	_ =	shalt  }
0x64: {  	_ =	shalt  }
0x65: {  	_ =	shalt  }
0x66: {  	_ =	shalt  }
0x67: {  	_ =	shalt  }
0x68: {  	_ =	shalt  }
0x69: {  	_ =	shalt  }
0x6a: {  	_ =	shalt  }
0x6b: {  	_ =	shalt  }
0x6c: {  	_ =	shalt  }
0x6d: {  	_ =	shalt  }
0x6e: {  	_ =	shalt  }
0x6f: {  	_ =	shalt  }
0x70: {  	_ =	shalt  }
0x71: {  	_ =	shalt  }
0x72: {  	_ =	shalt  }
0x73: {  	_ =	shalt  }
0x74: {  	_ =	shalt  }
0x75: {  	_ =	shalt  }
0x76: {  	_ =	shalt  }
0x77: {  	_ =	shalt  }
0x78: {  	_ =	shalt  }
0x79: {  	_ =	shalt  }
0x7a: {  	_ =	shalt  }
0x7b: {  	_ =	shalt  }
0x7c: {  	_ =	shalt  }
0x7d: {  	_ =	shalt  }
0x7e: {  	_ =	shalt  }
0x7f: {  	_ =	shalt  }
0x80: {  	_ =	shalt  }
0x81: {  	_ =	shalt  }
0x82: {  	_ =	shalt  }
0x83: {  	_ =	shalt  }
0x84: {  	_ =	shalt  }
0x85: {  	_ =	shalt  }
0x86: {  	_ =	shalt  }
0x87: {  	_ =	shalt  }
.Lfunc_end0:
.L_simem_size_0:
called_computation_lowered:
.L_overlay_start_0:
0x88: {  	s2 =	sld [smem:$0x3FD9]  }
0x89: {  	s3 =	sld [smem:$0x3FFE];
	_ =	sdelay $0x1  }
0x8a: {  	s1 =	srdreg.scid  }
0x8b: {  	s0 =	sand.u32 $0x1, s1  }
0x8c: {  	s17 =	sshll.u32 s0, $0xA;
	s2 =	sadd.s32 s3, s2  }
0x8d: {  	s2 =	sadd.s32 s2, s17  }
0x8e: {  	[smem:$0x3FC6] =	sst s2  }
0x8f: {  	_ = 	snop  }
0x90: {  	s2 =	sld [smem:$0x3FC8]  }
0x91: {  	s18 =	sld [smem:$0x3FD0];
	(tm) =	ssettm $0x1  }
0x92: {  	s4 =	sld [smem:$0x3FFB];
	_ =	sdelay $0x3  }
0x93: {  	_ =	strace s4  }
0x94: {  	s4 =	sld [smem:$0x3FFC];
	_ =	sdelay $0x3  }
0x95: {  	_ =	strace s4  }
0x96: {  	s4 =	sld [smem:$0x3FFD];
	_ =	sdelay $0x3  }
0x97: {  	_ =	strace s4  }
0x98: {  	_ =	strace $0x8FFFFFFF  }
0x99: {  	s19 =	sld [smem:$0x3FDB];
	_ =	sdelay $0x1  }
0x9a: {  	s5 =	simm.s32 $_scs_section_size  }
0x9b: {  	s6 =	simm.s32 $_size__tile_overlayer_lowered;
	s7 =	simm.s32 $_tile_overlayer_lowered  }
0x9c: {  	s22 =	simm.s32 $0x1BFF;
	s21 =	sshll.u32 s7, $0x1;
	s4 =	sadd.s32 s5, s19  }
0x9d: {  	s8 =	simm.s32 $0x0;
	s20 =	sshll.u32 s6, $0x1;
	s6 =	sadd.s32 s21, s4  }
0x9e: {  	[timem:s8], [sflag:s22] =	dma.local [hbm:s6], s20  }
0x9f: {  	_ =	swait.ge [sflag:s22], s20  }
0xa0: {  	s5 =	ssub.s32 $0x0, s20;
	[sflag:s22] =	ssyncset.done $0x0  }
0xa1: {  	[sflag:s22] =	ssyncadd.s32 s5;
	_ =	sdelay $0x1  }
0xa2: {  	s23 =	simm.s32 $0x1B8B  }
0xa3: {  	_ =	swait.ge [sflag:s23], $0x1  }
0xa4: {  	[sflag:s23] =	ssyncset.done $0x0  }
0xa5: {  	s25 =	simm.s32 $0x1B8E;
	s24 =	sld [smem:$0x3FFE];
	[sflag:s23] =	ssyncadd.s32 $0xFFFFFFFF  }
0xa6: {  	s26 =	simm.s32 $execute0_lowered;
	[smem:$0x3FD2] =	sst s25  }
0xa7: {  	s6 =	sshll.u32 s26, $0x1;
	_ =	strace $0x80000046;
	[dreg:$0x1] =	wrdreg $0xFFFFFFFF  }
0xa8: {  	s28 =	simm.s32 $_size_execute0_lowered;
	s4 =	sadd.s32 s4, s6;
	[dreg:$0x0] =	wrdreg $0x0  }
0xa9: {  	s6 =	sshll.u32 s28, $0x1;
	[dreg:$0x2] =	wrdreg s4  }
0xaa: {  	[dreg:$0x3] =	wrdreg s6  }
0xab: {  	[dreg:$0x4] =	wrdreg $0xC0  }
0xac: {  	_ =	task [dreg:s8], $0x5FFFF  }
0xad: {  	[dreg:$0x1] =	wrdreg $0xFFFFFFFF  }
0xae: {  	[dreg:$0x0] =	wrdreg $0x60  }
0xaf: {  	[dreg:$0x2] =	wrdreg s24  }
0xb0: {  	[dreg:$0x3] =	wrdreg s2  }
0xb1: {  	[dreg:$0x4] =	wrdreg s18  }
0xb2: {  	[dreg:$0x5] =	wrdreg $0x9  }
0xb3: {  	_ =	task.clear_ibuf [dreg:s8], $0x6FFFF;
	_ =	strace $0x90000046  }
0xb4: {  	s29 =	simm.s32 $0x9;
	_ =	strace $0x80000048  }
0xb5: {  	_ =	swait.ge [sflag:s29], $0x1  }
0xb6: {  	[sflag:s29] =	ssyncadd.s32 $0xFFFFFFFF  }
0xb7: {  	_ =	strace $0x90000048  }
0xb8: {  	_ =	sfence  }
0xb9: {  	s30 =	sld [smem:$0x0];
	_ =	sdelay $0x2  }
0xba: {  	s31 =	sshll.u32 s1, $0xD;
	s1 =	sshrl.u32 s1, $0x2  }
0xbb: {  	s3 =	sand.u32 $0x4000, s31;
	s1 =	sadd.s32 s1, s30  }
0xbc: {  	s0 =	sor.u32 s3, s0;
	s1 =	sshll.u32 s1, $0x11  }
0xbd: {  	s0 =	sor.u32 s1, s0  }
0xbe: {  	s0 =	sadd.s32 $0x8F2B, s0  }
0xbf: {  	[sflag:s0] =	ssyncadd.remote.s32 $0x1  }
0xc0: {  	_ =	sfence.sel $0xFFFF  }
0xc1: {  	[dreg:$0x0] =	wrdreg $0xFFFFFFFF;
	(pc) =	sbr.abs _section_cstart, $3  }
0xc2: {  	[dreg:$0x1] =	wrdreg $0xFFFFFFFF  }
0xc3: {  	_ =	task.clear_ibuf [dreg:s8], $0x2FFFF;
	_ =	strace $0x9FFFFFFF  }
0xc4: {  	(tm) =	ssettm $0x7FFFFFFF  }
0xc5: {  	_ =	shalt  }
tec
execute0_lowered:
.L_overlay_start_1:
0x0: {  	(tag) =	ssettag $0x1  }
0x1: {  	s0 =	rddreg [dreg:$0x0]  }
0x2: {  	s1 =	rddreg [dreg:$0x1]  }
0x3: {  	s2 =	rddreg [dreg:$0x2];
	s3 =	simm.s32 $0x0  }
0x4: {  	s4 =	srdreg.scid;
	s12 =	stileid.u32;
	s31 =	simm.s32 $0x5880  }
0x5: {  	s13 =	simm.s32 $0x6080;
	s15 =	simm.s32 $0x7880;
	s16 =	simm.s32 $0x8880  }
0x6: {  	s30 =	simm.s32 $0x9880;
	s29 =	simm.s32 $0xA880;
	s28 =	simm.s32 $0xB080  }
0x7: {  	s14 =	simm.s32 $0xE080;
	[smem:$0x7FF] =	sst s3;
	s4 =	sand.u32 $0x1, s4  }
0x8: {  	s6 =	sshll.u32 s12, $0xA;
	s10 =	sand.u32 $0x7, s12;
	s0 =	sadd.s32 $0x400, s0  }
0x9: {  	s24 =	sshll.u32 s12, $0x11;
	s12 =	simm.s32 $0xC080;
	s5 =	sshll.u32 s4, $0xE  }
0xa: {  	_ =	strace $0x80000047;
	s17 =	sshll.u32 s10, $0xA;
	s7 =	ssub.s32 $0x2, s4  }
0xb: {  	s19 =	sshll.u32 s10, $0x6;
	s22 =	sshll.u32 s4, $0x15;
	p0 =	sne.s32 s10, $0x0  }
0xc: {  	v1 =	vimm.s32 $0xEDCBA987;
	v0 =	vlaneseq.u32;
	v2 =	vimm.s32 $0x65432100;
	s10 =	simm.s32 $0xD880;
	s4 =	simm.s32 $0x0;
	s5 =	sor.u32 s6, s5  }
0xd: {  	v5 =	vimm.s32 $0xDCBA9876;
	v6 =	vimm.s32 $0x54321000;
	v7 =	vimm.s32 $0xE40000;
	s8 =	sshrl.u32 s7, $0x1;
	[dreg:$0x7] =	wrdreg s19;
	s19 =	simm.s32 $0x3080  }
0xe: {  	v8 =	vimm.s32 $0xBA987654;
	v9 =	vimm.s32 $0x32100000;
	vm0 =	vmmov $0x3;
	s6 =	ssub.s32 s5, s17;
	s9 =	sshrl.u32 s5, $0x3;
	s11 =	ssub.s32 s7, s8  }
0xf: {  	vm2 =	vcmask $0x3F30;
	vm1 =	vmmov $0xf;
	vm3 =	vmmov $0xffff;
	s7 =	sadd.s32 $0x100, s1;
	s20 =	sshll.u32 s5, $0x7;
	s8 =	sadd.s32 $0x200, s1  }
0x10: {  	v3 =	vunpack.c.l.s4.s8 v1;
	v1 =	vmul.u32 $0x40, v0;
	v4 =	vunpack.c.l.s4.s8 v2;
	s17 =	simm.s32 $0x9080;
	s6 =	sshrl.u32 s6, $0x3;
	s18 =	sadd.s32 s0, s9  }
0x11: {  	v2 =	vimm.s32 $0x0;
	v5 =	vunpack.c.l.s4.s8 v5;
	v7 =	vunpack.c.l.s2.s4 v7;
	s9 =	sadd.s32 $0x300, s1;
	s5 =	sadd.s32 s2, s20;
	[dreg:$0x5] =	wrdreg s18  }
0x12: {  	v6 =	vunpack.c.l.s4.s8 v6;
	v8 =	vunpack.c.l.s4.s8 v8;
	v9 =	vunpack.c.l.s4.s8 v9;
	s26 =	smax.u32 s11, $0x1;
	s20 =	simm.s32 $0x6880;
	[dreg:$0x8] =	wrdreg s5  }
0x13: {  	v3 =	vunpack.c.0.s8.s32 v3;
	v5 =	vunpack.c.0.s8.s32 v5;
	v7 =	vunpack.c.l.s4.s8 v7;
	s11 =	simm.s32 $0xA080;
	s0 =	sadd.s32 s0, s6;
	[dreg:$0xd] =	wrdreg s26  }
0x14: {  	v10 =	vor.u32 $0x8, v0;
	v4 =	vunpack.c.0.s8.s32 v4;
	v6 =	vunpack.c.0.s8.s32 v6;
	s21 =	sadd.s32 $0x2000, s5;
	s23 =	sadd.s32 $0x1E000, s5;
	[dreg:$0x6] =	wrdreg s0  }
0x15: {  	v3 =	vand.u32 $0xF, v3;
	v5 =	vand.u32 $0xF, v5;
	v7 =	vunpack.c.0.s8.s32 v7;
	s25 =	sadd.s32 $0x1F000, s5;
	s18 =	simm.s32 $0x2000;
	[dreg:$0xa] =	wrdreg s21  }
0x16: {  	s26 =	simm.s32 $0x5080;
	s6 =	simm.s32 $0x7080;
	v3 =	vcombine.low v4, v3;
	v4 =	vcombine.low v6, v5;
	v5 =	vunpack.c.0.s8.s32 v8;
	[dreg:$0xb] =	wrdreg s23  }
0x17: {  	v6 =	vunpack.c.0.s8.s32 v9;
	v8 =	vimm.s32 $0x7060504;
	v9 =	vshrl.u32 v0, $0x3;
	s0 =	sadd.s32 $0x1000, s5;
	[dreg:$0xc] =	wrdreg s25;
	s25 =	simm.s32 $0x4080  }
0x18: {  	s21 =	simm.s32 $0x4880;
	v8 =	vunpack.c.0.s8.s32 v8;
	v9 =	vmul.u32 $0x8, v9;
	[dreg:$0x9] =	wrdreg s0;
	s0 =	sadd.s32 s22, s2;
	v5 =	vand.u32 $0xF, v5  }
0x19: {  	s5 =	simm.s32 $0xD080;
	s22 =	simm.s32 $0xC880;
	s0 =	sadd.s32 s24, s0;
	v5 =	vcombine.low v6, v5;
	v6 =	vand.u32 $0x3, v7;
	v7 =	vimm.s32 $0xF  }
0x1a: {  	s24 =	simm.s32 $0x3880;
	[dreg:$0x4] =	wrdreg s0;
	s0 =	simm.s32 $0x8080;
	v6 =	vsel vm2, v8, v6;
	vm2 =	vmmov $0xff;
	v8 =	vand.u32 $0x7, v0  }
.LBB2_1:
0x1b: {  	[dreg:$0xe] =	wrdreg s4  }
0x1c: {  	s2 =	rddreg [dreg:$0x5];
	s4 =	simm.s32 $0x7  }
0x1d: {  	[tilespmem:s3], [sflag:$0x7] =	stream.linear.gather [hbm4b:s2+s3], $0x400, $0x38;
	[tilespmem:$0x1B080] =	vst v63  }
0x1e: {  	_ =	swait.ge [sflag:s4], $0x400  }
0x1f: {  	s23 =	simm.s32 $0x400;
	[sflag:s4] =	ssyncset.done $0x0  }
.Ltmp0:
0x20: {  	s2 =	rddreg [dreg:$0x6];
	[sflag:s4] =	ssyncadd.s32 $0xFFFFFC00;
	(pc) =	sbr.rel @!p0 .LBB2_2-.Ltmp0, $4  }
0x21: {  	[tilespmem:s23], [sflag:$0x7] =	stream.linear.gather [hbm4b:s2+s3], $0x1C00, $0x38;
	[tilespmem:$0x1B080] =	vst v63  }
0x22: {  	_ =	swait.ge [sflag:s4], $0x1C00  }
0x23: {  	[sflag:s4] =	ssyncset.done $0x0  }
0x24: {  	v11 =	vimm.s32 $0x0;
	[sflag:s4] =	ssyncadd.s32 $0xFFFFE400  }
0x25: {  	s2 =	rddreg [dreg:$0x7]  }
0x26: {  	v11 =	vld [tilespmem:s23+$0x0];
	p1 =	seq.s32 s2, $0x1  }
.Ltmp1:
0x27: {  	_ = 	snop;
	(pc) =	sbr.rel @p1 .LBB2_12-.Ltmp1, $2  }
0x28: {  	_ =	sdelay $0x2  }
0x29: {  	s23 =	sadd.s32 $0x10, s23;
	s2 =	sadd.s32 $0xFFFFFFFF, s2;
	vm4 =	vne.s32 v11, $0x1;
	v11 =	vimm.s32 $0x0  }
.LBB2_11:
0x2a: {  	v12 =	vld [tilespmem:s23+$0x0];
	p1 =	seq.s32 s2, $0x1;
	s2 =	sadd.s32 $0xFFFFFFFF, s2;
	v13 =	vsel vm4, $0x1, v2  }
.Ltmp2:
0x2b: {  	v11 =	vadd.s32 v13, v11;
	(pc) =	sbr.rel @!p1 .LBB2_11-.Ltmp2, $2  }
0x2c: {  	_ =	sdelay $0x2  }
0x2d: {  	s23 =	sadd.s32 $0x10, s23;
	vm4 =	vne.s32 v12, $0x1  }
.LBB2_12:
0x2e: {  	v12 =	vsel vm4, $0x1, v2  }
0x2f: {  	v11 =	vadd.s32 v12, v11  }
.LBB2_2:
0x30: {  	s2 =	simm.s32 $0x0  }
0x31: {  	v13 =	vor.u32 s2, v1;
	_ =	sdelay $0x3  }
0x32: {  	s23 =	simm.s32 $0x1  }
0x33: {  	v14 =	vld.idx.msk [tilespmem:v13+s3+$0x0], $0xffff;
	v13 =	vor.u32 s23, v1;
	_ =	sdelay $0x4  }
0x34: {  	v12 =	vimm.s32 $0x0;
	s2 =	simm.s32 $0x2;
	v13 =	vld.idx.msk [tilespmem:v13+s3+$0x0], $0xffff;
	vm4 =	vne.s32 v14, $0x1  }
.LBB2_3:
0x35: {  	v14 =	vor.u32 s2, v1;
	p1 =	sne.s32 s2, $0x3F;
	s2 =	sadd.s32 $0x1, s2;
	v15 =	vsel vm4, $0x1, v2  }
.Ltmp3:
0x36: {  	v12 =	vadd.s32 v15, v12;
	(pc) =	sbr.rel @p1 .LBB2_3-.Ltmp3, $2  }
0x37: {  	_ =	sdelay $0x2  }
0x38: {  	vm4 =	vne.s32 v13, $0x1;
	v13 =	vld.idx.msk [tilespmem:v14+s3+$0x0], $0xffff  }
0x39: {  	_ =	sdelay $0x3  }
0x3a: {  	v14 =	vsel vm4, $0x1, v2;
	vm4 =	vne.s32 v13, $0x1  }
0x3b: {  	v12 =	vadd.s32 v14, v12;
	v13 =	vsel vm4, $0x1, v2  }
0x3c: {  	v12 =	vadd.s32 v13, v12  }
0x3d: {  	s4 =	simm.s32 $0x3000;
	[tilespmem:$0x3000] =	vst v12  }
0x3e: {  	v13 =	vld.idx.msk [tilespmem:v3+s4+$0x0], $0xffff;
	_ =	sdelay $0x3  }
0x3f: {  	vm4 =	veq.s32 v0, $0x0  }
0x40: {  	v13 =	vsel vm4, $0x0, v13  }
0x41: {  	v13 =	vadd.s32 v12, v13  }
0x42: {  	[tilespmem:$0x3000] =	vst v13  }
0x43: {  	v14 =	vld.idx.msk [tilespmem:v4+s4+$0x0], $0xffff;
	_ =	sdelay $0x4  }
0x44: {  	v14 =	vsel vm0, $0x0, v14  }
0x45: {  	v13 =	vadd.s32 v13, v14  }
0x46: {  	[tilespmem:$0x3000] =	vst v13  }
0x47: {  	v14 =	vld.idx.msk [tilespmem:v5+s4+$0x0], $0xffff;
	_ =	sdelay $0x4  }
0x48: {  	v14 =	vsel vm1, $0x0, v14  }
0x49: {  	v13 =	vadd.s32 v13, v14  }
0x4a: {  	[tilespmem:$0x3000] =	vst v13  }
0x4b: {  	v14 =	vld.idx.msk [tilespmem:v6+s4+$0x0], $0xffff;
	[tilespmem:$0x3000] =	vst v11  }
0x4c: {  	v15 =	vld.idx.msk [tilespmem:v3+s4+$0x0], $0xffff;
	_ =	sdelay $0x4  }
0x4d: {  	v15 =	vsel vm4, $0x0, v15  }
0x4e: {  	v11 =	vadd.s32 v11, v15  }
0x4f: {  	[tilespmem:$0x3000] =	vst v11  }
0x50: {  	v15 =	vld.idx.msk [tilespmem:v4+s4+$0x0], $0xffff;
	_ =	sdelay $0x4  }
0x51: {  	v15 =	vsel vm0, $0x0, v15  }
0x52: {  	v11 =	vadd.s32 v11, v15  }
0x53: {  	[tilespmem:$0x3000] =	vst v11  }
0x54: {  	v15 =	vld.idx.msk [tilespmem:v5+s4+$0x0], $0xffff;
	_ =	sdelay $0x4  }
0x55: {  	v15 =	vsel vm1, $0x0, v15  }
0x56: {  	v11 =	vadd.s32 v11, v15  }
0x57: {  	[tilespmem:$0x3000] =	vst v11  }
0x58: {  	v15 =	vld.idx.msk [tilespmem:v6+s4+$0x0], $0xffff;
	_ =	sdelay $0x1  }
0x59: {  	s2 =	simm.s32 $0x0  }
0x5a: {  	v16 =	vor.u32 s2, v1;
	_ =	sdelay $0x1  }
0x5b: {  	v15 =	vsel vm2, $0x0, v15  }
0x5c: {  	v11 =	vadd.s32 v11, v15  }
0x5d: {  	[tilespmem:$0x3000] =	vst v11  }
0x5e: {  	v11 =	vld.idx.msk [tilespmem:v16+s3+$0x0], $0xffff  }
0x5f: {  	v15 =	vld.idx.msk [tilespmem:v7+s4+$0x0], $0xffff;
	_ =	sdelay $0x2  }
0x60: {  	v12 =	vsub.s32 v13, v12;
	v13 =	vsel vm2, $0x0, v14  }
0x61: {  	v14 =	vshll.u32 v16, $0x2;
	v12 =	vadd.s32 v13, v12;
	vm4 =	vne.s32 v11, $0x1  }
0x62: {  	v13 =	vmov s2;
	v11 =	vadd.s32 v15, v12;
	v12 =	vsel vm4, $0x1, v2  }
0x63: {  	v11 =	vadd.s32 v12, v11;
	v12 =	vand.u32 $0x1F, v13;
	v13 =	vand.u32 $0xF80, v14  }
0x64: {  	s2 =	simm.s32 $0x1;
	v14 =	vadd.s32 $0x1, v11;
	v13 =	vor.u32 v12, v13  }
0x65: {  	s23 =	simm.s32 $0x2;
	v12 =	vor.u32 s2, v1;
	vm5 =	vgt.s32 v14, $0x0  }
.LBB2_5:
0x66: {  	p1 =	sne.s32 s23, $0x3F;
	v14 =	vnsel vm5, $0x0, v14  }
0x67: {  	v14 =	vmin.u32 v14, $0x3FFF  }
0x68: {  	v14 =	vnsel vm4, $0x1, v14  }
0x69: {  	[tilespmem:v13+s18+$0x0] =	vst.idx.msk $0xffff, v14  }
0x6a: {  	v13 =	vld.idx.msk [tilespmem:v12+s3+$0x0], $0xffff;
	_ =	sdelay $0x5  }
.Ltmp4:
0x6b: {  	vm4 =	vne.s32 v13, $0x1;
	(pc) =	sbr.rel @p1 .LBB2_5-.Ltmp4, $4  }
0x6c: {  	v12 =	vshll.u32 v12, $0x2;
	v13 =	vmov s2;
	s2 =	smov.u32 s23;
	v14 =	vsel vm4, $0x1, v2  }
0x6d: {  	v12 =	vand.u32 $0xF80, v12;
	v13 =	vand.u32 $0x1F, v13;
	v11 =	vadd.s32 v14, v11  }
0x6e: {  	v13 =	vor.u32 v13, v12;
	v14 =	vadd.s32 $0x1, v11  }
0x6f: {  	s23 =	sadd.s32 $0x1, s23;
	v12 =	vor.u32 s2, v1;
	vm5 =	vgt.s32 v14, $0x0  }
0x70: {  	_ = 	snop  }
0x71: {  	v14 =	vnsel vm5, $0x0, v14  }
0x72: {  	v14 =	vmin.u32 v14, $0x3FFF  }
0x73: {  	v14 =	vnsel vm4, $0x1, v14  }
0x74: {  	[tilespmem:v13+s18+$0x0] =	vst.idx.msk $0xffff, v14  }
0x75: {  	v13 =	vld.idx.msk [tilespmem:v12+s3+$0x0], $0xffff;
	_ =	sdelay $0x4  }
0x76: {  	vm4 =	vne.s32 v13, $0x1  }
0x77: {  	v51 =	vmov s2;
	v53 =	vshll.u32 v12, $0x2;
	v52 =	vsel vm4, $0x1, v2  }
0x78: {  	v12 =	vand.u32 $0xF80, v53;
	v13 =	vand.u32 $0x1F, v51;
	v11 =	vadd.s32 v52, v11  }
0x79: {  	v12 =	vor.u32 v13, v12;
	v11 =	vadd.s32 $0x1, v11  }
0x7a: {  	vm5 =	vgt.s32 v11, $0x0  }
0x7b: {  	v11 =	vnsel vm5, $0x0, v11  }
0x7c: {  	v11 =	vmin.u32 v11, $0x3FFF  }
0x7d: {  	v11 =	vnsel vm4, $0x1, v11  }
0x7e: {  	[tilespmem:v12+s18+$0x0] =	vst.idx.msk $0xffff, v11  }
0x7f: {  	v11 =	vld [tilespmem:$0x2000];
	_ =	sdelay $0x4  }
0x80: {  	v54 =	vshll.u32 v11, $0x3  }
0x81: {  	v11 =	vand.u32 $0x7, v11;
	v12 =	vand.u32 $0xFFFFFFC0, v54  }
0x82: {  	v11 =	vor.u32 v11, v12  }
0x83: {  	v12 =	vperm.xlane v11, v8;
	_ =	sdelay $0x1  }
0x84: {  	v12 =	vadd.s32 v9, v12;
	_ =	sdelay $0x3  }
0x85: {  	s23 =	simm.s32 $0x0  }
0x86: {  	[tilespmem:s19], [sflag:$0x1] =	stream.indirect_vreg.gather [hbm4b:s1+s23], $0x80, v12, vm3, $0xb8;
	[tilespmem:$0x1B080] =	vst v63  }
0x87: {  	v11 =	vperm.xlane v11, v10  }
0x88: {  	[tilespmem:s24], [sflag:$0x1] =	stream.indirect_vreg.gather [hbm4b:s7+s23], $0x80, v12, vm3, $0xb8;
	[tilespmem:$0x1B080] =	vst v63  }
0x89: {  	v11 =	vadd.s32 v9, v11  }
0x8a: {  	[tilespmem:s25], [sflag:$0x1] =	stream.indirect_vreg.gather [hbm4b:s8+s23], $0x80, v12, vm3, $0xb8;
	[tilespmem:$0x1B080] =	vst v63  }
0x8b: {  	_ = 	snop  }
0x8c: {  	[tilespmem:s21], [sflag:$0x1] =	stream.indirect_vreg.gather [hbm4b:s9+s23], $0x80, v12, vm3, $0xb8;
	[tilespmem:$0x1B080] =	vst v63  }
0x8d: {  	_ = 	snop  }
0x8e: {  	[tilespmem:s26], [sflag:$0x1] =	stream.indirect_vreg.gather [hbm4b:s1+s23], $0x80, v11, vm3, $0xb8;
	[tilespmem:$0x1B080] =	vst v63  }
0x8f: {  	_ = 	snop  }
0x90: {  	[tilespmem:s31], [sflag:$0x1] =	stream.indirect_vreg.gather [hbm4b:s7+s23], $0x80, v11, vm3, $0xb8;
	[tilespmem:$0x1B080] =	vst v63  }
0x91: {  	_ = 	snop  }
0x92: {  	[tilespmem:s13], [sflag:$0x1] =	stream.indirect_vreg.gather [hbm4b:s8+s23], $0x80, v11, vm3, $0xb8;
	[tilespmem:$0x1B080] =	vst v63  }
0x93: {  	_ = 	snop  }
0x94: {  	[tilespmem:s20], [sflag:$0x1] =	stream.indirect_vreg.gather [hbm4b:s9+s23], $0x80, v11, vm3, $0xb8;
	[tilespmem:$0x1B080] =	vst v63  }
0x95: {  	v11 =	vld [tilespmem:$0x2010];
	_ =	sdelay $0x4  }
0x96: {  	v55 =	vshll.u32 v11, $0x3  }
0x97: {  	v11 =	vand.u32 $0x7, v11;
	v12 =	vand.u32 $0xFFFFFFC0, v55  }
0x98: {  	v11 =	vor.u32 v11, v12  }
0x99: {  	v12 =	vperm.xlane v11, v8;
	_ =	sdelay $0x1  }
0x9a: {  	v12 =	vadd.s32 v9, v12;
	_ =	sdelay $0x4  }
0x9b: {  	[tilespmem:s6], [sflag:$0x1] =	stream.indirect_vreg.gather [hbm4b:s1+s23], $0x80, v12, vm3, $0xb8;
	[tilespmem:$0x1B080] =	vst v63  }
0x9c: {  	v11 =	vperm.xlane v11, v10  }
0x9d: {  	[tilespmem:s15], [sflag:$0x1] =	stream.indirect_vreg.gather [hbm4b:s7+s23], $0x80, v12, vm3, $0xb8;
	[tilespmem:$0x1B080] =	vst v63  }
0x9e: {  	v11 =	vadd.s32 v9, v11  }
0x9f: {  	[tilespmem:s0], [sflag:$0x1] =	stream.indirect_vreg.gather [hbm4b:s8+s23], $0x80, v12, vm3, $0xb8;
	[tilespmem:$0x1B080] =	vst v63  }
0xa0: {  	_ = 	snop  }
0xa1: {  	[tilespmem:s16], [sflag:$0x1] =	stream.indirect_vreg.gather [hbm4b:s9+s23], $0x80, v12, vm3, $0xb8;
	[tilespmem:$0x1B080] =	vst v63  }
0xa2: {  	_ = 	snop  }
0xa3: {  	[tilespmem:s17], [sflag:$0x1] =	stream.indirect_vreg.gather [hbm4b:s1+s23], $0x80, v11, vm3, $0xb8;
	[tilespmem:$0x1B080] =	vst v63  }
0xa4: {  	_ = 	snop  }
0xa5: {  	[tilespmem:s30], [sflag:$0x1] =	stream.indirect_vreg.gather [hbm4b:s7+s23], $0x80, v11, vm3, $0xb8;
	[tilespmem:$0x1B080] =	vst v63  }
0xa6: {  	_ = 	snop  }
0xa7: {  	[tilespmem:s11], [sflag:$0x1] =	stream.indirect_vreg.gather [hbm4b:s8+s23], $0x80, v11, vm3, $0xb8;
	[tilespmem:$0x1B080] =	vst v63  }
0xa8: {  	_ = 	snop  }
0xa9: {  	[tilespmem:s29], [sflag:$0x1] =	stream.indirect_vreg.gather [hbm4b:s9+s23], $0x80, v11, vm3, $0xb8;
	[tilespmem:$0x1B080] =	vst v63  }
0xaa: {  	v11 =	vld [tilespmem:$0x2080];
	_ =	sdelay $0x4  }
0xab: {  	v56 =	vshll.u32 v11, $0x3  }
0xac: {  	v11 =	vand.u32 $0x7, v11;
	v12 =	vand.u32 $0xFFFFFFC0, v56  }
0xad: {  	v11 =	vor.u32 v11, v12  }
0xae: {  	v12 =	vperm.xlane v11, v8;
	_ =	sdelay $0x1  }
0xaf: {  	v12 =	vadd.s32 v9, v12;
	_ =	sdelay $0x4  }
0xb0: {  	[tilespmem:s28], [sflag:$0x2] =	stream.indirect_vreg.gather [hbm4b:s1+s23], $0x80, v12, vm3, $0xb8;
	[tilespmem:$0x1B080] =	vst v63  }
0xb1: {  	s17 =	simm.s32 $0xB880;
	v11 =	vperm.xlane v11, v10  }
0xb2: {  	[tilespmem:s17], [sflag:$0x2] =	stream.indirect_vreg.gather [hbm4b:s7+s23], $0x80, v12, vm3, $0xb8;
	[tilespmem:$0x1B080] =	vst v63  }
0xb3: {  	v11 =	vadd.s32 v9, v11  }
0xb4: {  	[tilespmem:s12], [sflag:$0x2] =	stream.indirect_vreg.gather [hbm4b:s8+s23], $0x80, v12, vm3, $0xb8;
	[tilespmem:$0x1B080] =	vst v63  }
0xb5: {  	_ = 	snop  }
0xb6: {  	[tilespmem:s22], [sflag:$0x2] =	stream.indirect_vreg.gather [hbm4b:s9+s23], $0x80, v12, vm3, $0xb8;
	[tilespmem:$0x1B080] =	vst v63  }
0xb7: {  	_ = 	snop  }
0xb8: {  	[tilespmem:s5], [sflag:$0x2] =	stream.indirect_vreg.gather [hbm4b:s1+s23], $0x80, v11, vm3, $0xb8;
	[tilespmem:$0x1B080] =	vst v63  }
0xb9: {  	_ = 	snop  }
0xba: {  	[tilespmem:s10], [sflag:$0x2] =	stream.indirect_vreg.gather [hbm4b:s7+s23], $0x80, v11, vm3, $0xb8;
	[tilespmem:$0x1B080] =	vst v63  }
0xbb: {  	_ = 	snop  }
0xbc: {  	[tilespmem:s14], [sflag:$0x2] =	stream.indirect_vreg.gather [hbm4b:s8+s23], $0x80, v11, vm3, $0xb8;
	[tilespmem:$0x1B080] =	vst v63  }
0xbd: {  	s0 =	simm.s32 $0xE880  }
0xbe: {  	[tilespmem:s0], [sflag:$0x2] =	stream.indirect_vreg.gather [hbm4b:s9+s23], $0x80, v11, vm3, $0xb8;
	[tilespmem:$0x1B080] =	vst v63  }
0xbf: {  	v11 =	vld [tilespmem:$0x2090];
	_ =	sdelay $0x4  }
0xc0: {  	v57 =	vshll.u32 v11, $0x3  }
0xc1: {  	v11 =	vand.u32 $0x7, v11;
	v12 =	vand.u32 $0xFFFFFFC0, v57  }
0xc2: {  	v11 =	vor.u32 v11, v12  }
0xc3: {  	v12 =	vperm.xlane v11, v8;
	_ =	sdelay $0x1  }
0xc4: {  	v12 =	vadd.s32 v9, v12;
	_ =	sdelay $0x3  }
0xc5: {  	s4 =	simm.s32 $0xF080  }
0xc6: {  	[tilespmem:s4], [sflag:$0x2] =	stream.indirect_vreg.gather [hbm4b:s1+s23], $0x80, v12, vm3, $0xb8;
	[tilespmem:$0x1B080] =	vst v63  }
0xc7: {  	s5 =	simm.s32 $0xF880;
	v11 =	vperm.xlane v11, v10  }
0xc8: {  	[tilespmem:s5], [sflag:$0x2] =	stream.indirect_vreg.gather [hbm4b:s7+s23], $0x80, v12, vm3, $0xb8;
	[tilespmem:$0x1B080] =	vst v63  }
0xc9: {  	s6 =	simm.s32 $0x10080;
	v11 =	vadd.s32 v9, v11  }
0xca: {  	[tilespmem:s6], [sflag:$0x2] =	stream.indirect_vreg.gather [hbm4b:s8+s23], $0x80, v12, vm3, $0xb8;
	[tilespmem:$0x1B080] =	vst v63  }
0xcb: {  	s10 =	simm.s32 $0x10880  }
0xcc: {  	[tilespmem:s10], [sflag:$0x2] =	stream.indirect_vreg.gather [hbm4b:s9+s23], $0x80, v12, vm3, $0xb8;
	[tilespmem:$0x1B080] =	vst v63  }
0xcd: {  	s12 =	simm.s32 $0x11080  }
0xce: {  	[tilespmem:s12], [sflag:$0x2] =	stream.indirect_vreg.gather [hbm4b:s1+s23], $0x80, v11, vm3, $0xb8;
	[tilespmem:$0x1B080] =	vst v63  }
0xcf: {  	s14 =	simm.s32 $0x11880  }
0xd0: {  	[tilespmem:s14], [sflag:$0x2] =	stream.indirect_vreg.gather [hbm4b:s7+s23], $0x80, v11, vm3, $0xb8;
	[tilespmem:$0x1B080] =	vst v63  }
0xd1: {  	s15 =	simm.s32 $0x12080  }
0xd2: {  	[tilespmem:s15], [sflag:$0x2] =	stream.indirect_vreg.gather [hbm4b:s8+s23], $0x80, v11, vm3, $0xb8;
	[tilespmem:$0x1B080] =	vst v63  }
0xd3: {  	s16 =	simm.s32 $0x12880;
	s5 =	simm.s32 $0x1  }
0xd4: {  	[tilespmem:s16], [sflag:$0x2] =	stream.indirect_vreg.gather [hbm4b:s9+s23], $0x80, v11, vm3, $0xb8;
	[tilespmem:$0x1B080] =	vst v63  }
0xd5: {  	_ =	swait.ge [sflag:s5], $0x8000  }
0xd6: {  	[sflag:s5] =	ssyncset.done $0x0  }
0xd7: {  	s17 =	rddreg [dreg:$0x8];
	[sflag:s5] =	ssyncadd.s32 $0xFFFF8000  }
0xd8: {  	[hbm4b:s17+s23] =	stream.linear.scatter [tilespmem:s19], [sflag:$0x4], $0x8000, $0x38;
	[tilespmem:$0x1B080] =	vst v63  }
0xd9: {  	v11 =	vld [tilespmem:$0x2100];
	_ =	sdelay $0x4  }
0xda: {  	v58 =	vshll.u32 v11, $0x3  }
0xdb: {  	v11 =	vand.u32 $0x7, v11;
	v12 =	vand.u32 $0xFFFFFFC0, v58  }
0xdc: {  	v11 =	vor.u32 v11, v12  }
0xdd: {  	v12 =	vperm.xlane v11, v8;
	_ =	sdelay $0x1  }
0xde: {  	v12 =	vadd.s32 v9, v12;
	_ =	sdelay $0x3  }
0xdf: {  	s10 =	simm.s32 $0x13080  }
0xe0: {  	[tilespmem:s10], [sflag:$0x3] =	stream.indirect_vreg.gather [hbm4b:s1+s23], $0x80, v12, vm3, $0xb8;
	[tilespmem:$0x1B080] =	vst v63  }
0xe1: {  	s22 =	simm.s32 $0x13880;
	v11 =	vperm.xlane v11, v10  }
0xe2: {  	[tilespmem:s22], [sflag:$0x3] =	stream.indirect_vreg.gather [hbm4b:s7+s23], $0x80, v12, vm3, $0xb8;
	[tilespmem:$0x1B080] =	vst v63  }
0xe3: {  	s2 =	simm.s32 $0x14080;
	v11 =	vadd.s32 v9, v11  }
0xe4: {  	[tilespmem:s2], [sflag:$0x3] =	stream.indirect_vreg.gather [hbm4b:s8+s23], $0x80, v12, vm3, $0xb8;
	[tilespmem:$0x1B080] =	vst v63  }
0xe5: {  	s4 =	simm.s32 $0x14880  }
0xe6: {  	[tilespmem:s4], [sflag:$0x3] =	stream.indirect_vreg.gather [hbm4b:s9+s23], $0x80, v12, vm3, $0xb8;
	[tilespmem:$0x1B080] =	vst v63  }
0xe7: {  	s6 =	simm.s32 $0x15080  }
0xe8: {  	[tilespmem:s6], [sflag:$0x3] =	stream.indirect_vreg.gather [hbm4b:s1+s23], $0x80, v11, vm3, $0xb8;
	[tilespmem:$0x1B080] =	vst v63  }
0xe9: {  	s12 =	simm.s32 $0x15880  }
0xea: {  	[tilespmem:s12], [sflag:$0x3] =	stream.indirect_vreg.gather [hbm4b:s7+s23], $0x80, v11, vm3, $0xb8;
	[tilespmem:$0x1B080] =	vst v63  }
0xeb: {  	s14 =	simm.s32 $0x16080  }
0xec: {  	[tilespmem:s14], [sflag:$0x3] =	stream.indirect_vreg.gather [hbm4b:s8+s23], $0x80, v11, vm3, $0xb8;
	[tilespmem:$0x1B080] =	vst v63  }
0xed: {  	s15 =	simm.s32 $0x16880  }
0xee: {  	[tilespmem:s15], [sflag:$0x3] =	stream.indirect_vreg.gather [hbm4b:s9+s23], $0x80, v11, vm3, $0xb8;
	[tilespmem:$0x1B080] =	vst v63  }
0xef: {  	v11 =	vld [tilespmem:$0x2110];
	_ =	sdelay $0x4  }
0xf0: {  	v59 =	vshll.u32 v11, $0x3  }
0xf1: {  	v11 =	vand.u32 $0x7, v11;
	v12 =	vand.u32 $0xFFFFFFC0, v59  }
0xf2: {  	v11 =	vor.u32 v11, v12  }
0xf3: {  	v12 =	vperm.xlane v11, v8;
	_ =	sdelay $0x1  }
0xf4: {  	v12 =	vadd.s32 v9, v12;
	_ =	sdelay $0x3  }
0xf5: {  	s16 =	simm.s32 $0x17080  }
0xf6: {  	[tilespmem:s16], [sflag:$0x3] =	stream.indirect_vreg.gather [hbm4b:s1+s23], $0x80, v12, vm3, $0xb8;
	[tilespmem:$0x1B080] =	vst v63  }
0xf7: {  	s17 =	simm.s32 $0x17880;
	v11 =	vperm.xlane v11, v10  }
0xf8: {  	[tilespmem:s17], [sflag:$0x3] =	stream.indirect_vreg.gather [hbm4b:s7+s23], $0x80, v12, vm3, $0xb8;
	[tilespmem:$0x1B080] =	vst v63  }
0xf9: {  	s22 =	simm.s32 $0x18080;
	v11 =	vadd.s32 v9, v11  }
0xfa: {  	[tilespmem:s22], [sflag:$0x3] =	stream.indirect_vreg.gather [hbm4b:s8+s23], $0x80, v12, vm3, $0xb8;
	[tilespmem:$0x1B080] =	vst v63  }
0xfb: {  	s2 =	simm.s32 $0x18880  }
0xfc: {  	[tilespmem:s2], [sflag:$0x3] =	stream.indirect_vreg.gather [hbm4b:s9+s23], $0x80, v12, vm3, $0xb8;
	[tilespmem:$0x1B080] =	vst v63  }
0xfd: {  	s4 =	simm.s32 $0x19080  }
0xfe: {  	[tilespmem:s4], [sflag:$0x3] =	stream.indirect_vreg.gather [hbm4b:s1+s23], $0x80, v11, vm3, $0xb8;
	[tilespmem:$0x1B080] =	vst v63  }
0xff: {  	s6 =	simm.s32 $0x19880  }
0x100: {  	[tilespmem:s6], [sflag:$0x3] =	stream.indirect_vreg.gather [hbm4b:s7+s23], $0x80, v11, vm3, $0xb8;
	[tilespmem:$0x1B080] =	vst v63  }
0x101: {  	s12 =	simm.s32 $0x1A080  }
0x102: {  	[tilespmem:s12], [sflag:$0x3] =	stream.indirect_vreg.gather [hbm4b:s8+s23], $0x80, v11, vm3, $0xb8;
	[tilespmem:$0x1B080] =	vst v63  }
0x103: {  	s14 =	simm.s32 $0x1A880;
	s12 =	simm.s32 $0x2  }
0x104: {  	[tilespmem:s14], [sflag:$0x3] =	stream.indirect_vreg.gather [hbm4b:s9+s23], $0x80, v11, vm3, $0xb8;
	[tilespmem:$0x1B080] =	vst v63  }
0x105: {  	_ =	swait.ge [sflag:s12], $0x8000  }
0x106: {  	[sflag:s12] =	ssyncset.done $0x0  }
0x107: {  	s14 =	simm.s32 $0x4;
	s15 =	rddreg [dreg:$0x9];
	[sflag:s12] =	ssyncadd.s32 $0xFFFF8000  }
0x108: {  	[hbm4b:s15+s23] =	stream.linear.scatter [tilespmem:s28], [sflag:$0x5], $0x8000, $0x38;
	[tilespmem:$0x1B080] =	vst v63  }
0x109: {  	_ =	swait.ge [sflag:s14], $0x8000  }
0x10a: {  	[sflag:s14] =	ssyncset.done $0x0  }
0x10b: {  	[sflag:s14] =	ssyncadd.s32 $0xFFFF8000  }
0x10c: {  	v11 =	vld [tilespmem:$0x2180];
	_ =	sdelay $0x4  }
0x10d: {  	v60 =	vshll.u32 v11, $0x3  }
0x10e: {  	v11 =	vand.u32 $0x7, v11;
	v12 =	vand.u32 $0xFFFFFFC0, v60  }
0x10f: {  	v11 =	vor.u32 v11, v12  }
0x110: {  	v12 =	vperm.xlane v11, v8;
	_ =	sdelay $0x1  }
0x111: {  	v12 =	vadd.s32 v9, v12;
	_ =	sdelay $0x4  }
0x112: {  	[tilespmem:s19], [sflag:$0x1] =	stream.indirect_vreg.gather [hbm4b:s1+s23], $0x80, v12, vm3, $0xb8;
	[tilespmem:$0x1B080] =	vst v63  }
0x113: {  	v11 =	vperm.xlane v11, v10  }
0x114: {  	[tilespmem:s24], [sflag:$0x1] =	stream.indirect_vreg.gather [hbm4b:s7+s23], $0x80, v12, vm3, $0xb8;
	[tilespmem:$0x1B080] =	vst v63  }
0x115: {  	v11 =	vadd.s32 v9, v11  }
0x116: {  	[tilespmem:s25], [sflag:$0x1] =	stream.indirect_vreg.gather [hbm4b:s8+s23], $0x80, v12, vm3, $0xb8;
	[tilespmem:$0x1B080] =	vst v63  }
0x117: {  	_ = 	snop  }
0x118: {  	[tilespmem:s21], [sflag:$0x1] =	stream.indirect_vreg.gather [hbm4b:s9+s23], $0x80, v12, vm3, $0xb8;
	[tilespmem:$0x1B080] =	vst v63  }
0x119: {  	_ = 	snop  }
0x11a: {  	[tilespmem:s26], [sflag:$0x1] =	stream.indirect_vreg.gather [hbm4b:s1+s23], $0x80, v11, vm3, $0xb8;
	[tilespmem:$0x1B080] =	vst v63  }
0x11b: {  	_ = 	snop  }
0x11c: {  	[tilespmem:s31], [sflag:$0x1] =	stream.indirect_vreg.gather [hbm4b:s7+s23], $0x80, v11, vm3, $0xb8;
	[tilespmem:$0x1B080] =	vst v63  }
0x11d: {  	_ = 	snop  }
0x11e: {  	[tilespmem:s13], [sflag:$0x1] =	stream.indirect_vreg.gather [hbm4b:s8+s23], $0x80, v11, vm3, $0xb8;
	[tilespmem:$0x1B080] =	vst v63  }
0x11f: {  	_ = 	snop  }
0x120: {  	[tilespmem:s20], [sflag:$0x1] =	stream.indirect_vreg.gather [hbm4b:s9+s23], $0x80, v11, vm3, $0xb8;
	[tilespmem:$0x1B080] =	vst v63  }
0x121: {  	v11 =	vld [tilespmem:$0x2190];
	_ =	sdelay $0x4  }
0x122: {  	v61 =	vshll.u32 v11, $0x3  }
0x123: {  	v11 =	vand.u32 $0x7, v11;
	v12 =	vand.u32 $0xFFFFFFC0, v61  }
0x124: {  	v11 =	vor.u32 v11, v12  }
0x125: {  	v12 =	vperm.xlane v11, v8;
	_ =	sdelay $0x1  }
0x126: {  	v12 =	vadd.s32 v9, v12;
	_ =	sdelay $0x3  }
0x127: {  	s16 =	simm.s32 $0x7080  }
0x128: {  	[tilespmem:s16], [sflag:$0x1] =	stream.indirect_vreg.gather [hbm4b:s1+s23], $0x80, v12, vm3, $0xb8;
	[tilespmem:$0x1B080] =	vst v63  }
0x129: {  	s2 =	simm.s32 $0x7880;
	v11 =	vperm.xlane v11, v10  }
0x12a: {  	[tilespmem:s2], [sflag:$0x1] =	stream.indirect_vreg.gather [hbm4b:s7+s23], $0x80, v12, vm3, $0xb8;
	[tilespmem:$0x1B080] =	vst v63  }
0x12b: {  	s17 =	simm.s32 $0x8080;
	v11 =	vadd.s32 v9, v11  }
0x12c: {  	[tilespmem:s17], [sflag:$0x1] =	stream.indirect_vreg.gather [hbm4b:s8+s23], $0x80, v12, vm3, $0xb8;
	[tilespmem:$0x1B080] =	vst v63  }
0x12d: {  	s0 =	simm.s32 $0x8880  }
0x12e: {  	[tilespmem:s0], [sflag:$0x1] =	stream.indirect_vreg.gather [hbm4b:s9+s23], $0x80, v12, vm3, $0xb8;
	[tilespmem:$0x1B080] =	vst v63  }
0x12f: {  	s4 =	simm.s32 $0x9080  }
0x130: {  	[tilespmem:s4], [sflag:$0x1] =	stream.indirect_vreg.gather [hbm4b:s1+s23], $0x80, v11, vm3, $0xb8;
	[tilespmem:$0x1B080] =	vst v63  }
0x131: {  	_ = 	snop  }
0x132: {  	[tilespmem:s30], [sflag:$0x1] =	stream.indirect_vreg.gather [hbm4b:s7+s23], $0x80, v11, vm3, $0xb8;
	[tilespmem:$0x1B080] =	vst v63  }
0x133: {  	_ = 	snop  }
0x134: {  	[tilespmem:s11], [sflag:$0x1] =	stream.indirect_vreg.gather [hbm4b:s8+s23], $0x80, v11, vm3, $0xb8;
	[tilespmem:$0x1B080] =	vst v63  }
0x135: {  	s16 =	simm.s32 $0x3  }
0x136: {  	[tilespmem:s29], [sflag:$0x1] =	stream.indirect_vreg.gather [hbm4b:s9+s23], $0x80, v11, vm3, $0xb8;
	[tilespmem:$0x1B080] =	vst v63  }
0x137: {  	_ =	swait.ge [sflag:s16], $0x8000  }
0x138: {  	[sflag:s16] =	ssyncset.done $0x0  }
0x139: {  	s2 =	simm.s32 $0x5;
	s0 =	rddreg [dreg:$0xa];
	[sflag:s16] =	ssyncadd.s32 $0xFFFF8000  }
0x13a: {  	[hbm4b:s0+s23] =	stream.linear.scatter [tilespmem:s10], [sflag:$0x6], $0x8000, $0x38;
	[tilespmem:$0x1B080] =	vst v63  }
0x13b: {  	_ =	swait.ge [sflag:s2], $0x8000  }
0x13c: {  	[sflag:s2] =	ssyncset.done $0x0  }
0x13d: {  	[sflag:s2] =	ssyncadd.s32 $0xFFFF8000  }
0x13e: {  	v11 =	vld [tilespmem:$0x2200];
	_ =	sdelay $0x4  }
0x13f: {  	v62 =	vshll.u32 v11, $0x3  }
0x140: {  	v11 =	vand.u32 $0x7, v11;
	v12 =	vand.u32 $0xFFFFFFC0, v62  }
0x141: {  	v11 =	vor.u32 v11, v12  }
0x142: {  	v12 =	vperm.xlane v11, v8;
	_ =	sdelay $0x1  }
0x143: {  	v12 =	vadd.s32 v9, v12;
	_ =	sdelay $0x4  }
0x144: {  	[tilespmem:s28], [sflag:$0x2] =	stream.indirect_vreg.gather [hbm4b:s1+s23], $0x80, v12, vm3, $0xb8;
	[tilespmem:$0x1B080] =	vst v63  }
0x145: {  	s4 =	simm.s32 $0xB880;
	v11 =	vperm.xlane v11, v10  }
0x146: {  	[tilespmem:s4], [sflag:$0x2] =	stream.indirect_vreg.gather [hbm4b:s7+s23], $0x80, v12, vm3, $0xb8;
	[tilespmem:$0x1B080] =	vst v63  }
0x147: {  	s22 =	simm.s32 $0xC080;
	v11 =	vadd.s32 v9, v11  }
0x148: {  	[tilespmem:s22], [sflag:$0x2] =	stream.indirect_vreg.gather [hbm4b:s8+s23], $0x80, v12, vm3, $0xb8;
	[tilespmem:$0x1B080] =	vst v63  }
0x149: {  	s6 =	simm.s32 $0xC880  }
0x14a: {  	[tilespmem:s6], [sflag:$0x2] =	stream.indirect_vreg.gather [hbm4b:s9+s23], $0x80, v12, vm3, $0xb8;
	[tilespmem:$0x1B080] =	vst v63  }
0x14b: {  	s17 =	simm.s32 $0xD080  }
0x14c: {  	[tilespmem:s17], [sflag:$0x2] =	stream.indirect_vreg.gather [hbm4b:s1+s23], $0x80, v11, vm3, $0xb8;
	[tilespmem:$0x1B080] =	vst v63  }
0x14d: {  	s19 =	simm.s32 $0xD880  }
0x14e: {  	[tilespmem:s19], [sflag:$0x2] =	stream.indirect_vreg.gather [hbm4b:s7+s23], $0x80, v11, vm3, $0xb8;
	[tilespmem:$0x1B080] =	vst v63  }
0x14f: {  	s15 =	simm.s32 $0xE080  }
0x150: {  	[tilespmem:s15], [sflag:$0x2] =	stream.indirect_vreg.gather [hbm4b:s8+s23], $0x80, v11, vm3, $0xb8;
	[tilespmem:$0x1B080] =	vst v63  }
0x151: {  	s13 =	simm.s32 $0xE880  }
0x152: {  	[tilespmem:s13], [sflag:$0x2] =	stream.indirect_vreg.gather [hbm4b:s9+s23], $0x80, v11, vm3, $0xb8;
	[tilespmem:$0x1B080] =	vst v63  }
0x153: {  	v11 =	vld [tilespmem:$0x2210];
	_ =	sdelay $0x4  }
0x154: {  	v63 =	vshll.u32 v11, $0x3  }
0x155: {  	v11 =	vand.u32 $0x7, v11;
	v12 =	vand.u32 $0xFFFFFFC0, v63  }
0x156: {  	v11 =	vor.u32 v11, v12  }
0x157: {  	v12 =	vperm.xlane v11, v8;
	_ =	sdelay $0x1  }
0x158: {  	v12 =	vadd.s32 v9, v12;
	_ =	sdelay $0x3  }
0x159: {  	s24 =	simm.s32 $0x12080;
	s25 =	simm.s32 $0x11880;
	s11 =	simm.s32 $0xF080  }
0x15a: {  	[tilespmem:s11], [sflag:$0x2] =	stream.indirect_vreg.gather [hbm4b:s1+s23], $0x80, v12, vm3, $0xb8;
	[tilespmem:$0x1B080] =	vst v63  }
0x15b: {  	s21 =	simm.s32 $0x10080;
	s26 =	simm.s32 $0x11080;
	s22 =	simm.s32 $0xF880;
	v11 =	vperm.xlane v11, v10  }
0x15c: {  	[tilespmem:s22], [sflag:$0x2] =	stream.indirect_vreg.gather [hbm4b:s7+s23], $0x80, v12, vm3, $0xb8;
	[tilespmem:$0x1B080] =	vst v63  }
0x15d: {  	s31 =	simm.s32 $0xD080;
	s20 =	simm.s32 $0x10880;
	s30 =	simm.s32 $0x9080;
	v11 =	vadd.s32 v9, v11  }
0x15e: {  	[tilespmem:s21], [sflag:$0x2] =	stream.indirect_vreg.gather [hbm4b:s8+s23], $0x80, v12, vm3, $0xb8;
	[tilespmem:$0x1B080] =	vst v63  }
0x15f: {  	s29 =	simm.s32 $0xA080;
	s0 =	simm.s32 $0x6;
	s2 =	simm.s32 $0x2390  }
0x160: {  	[tilespmem:s20], [sflag:$0x2] =	stream.indirect_vreg.gather [hbm4b:s9+s23], $0x80, v12, vm3, $0xb8;
	[tilespmem:$0x1B080] =	vst v63  }
0x161: {  	s28 =	simm.s32 $0x12880;
	s6 =	simm.s32 $0x7880;
	s17 =	simm.s32 $0x8880  }
0x162: {  	[tilespmem:s26], [sflag:$0x2] =	stream.indirect_vreg.gather [hbm4b:s1+s23], $0x80, v11, vm3, $0xb8;
	[tilespmem:$0x1B080] =	vst v63  }
0x163: {  	s19 =	simm.s32 $0x9880;
	s15 =	simm.s32 $0x6880;
	s13 =	simm.s32 $0x5880  }
0x164: {  	[tilespmem:s25], [sflag:$0x2] =	stream.indirect_vreg.gather [hbm4b:s7+s23], $0x80, v11, vm3, $0xb8;
	[tilespmem:$0x1B080] =	vst v63  }
0x165: {  	s11 =	simm.s32 $0x3080;
	s22 =	simm.s32 $0xD880;
	s21 =	simm.s32 $0xB080  }
0x166: {  	[tilespmem:s24], [sflag:$0x2] =	stream.indirect_vreg.gather [hbm4b:s8+s23], $0x80, v11, vm3, $0xb8;
	[tilespmem:$0x1B080] =	vst v63  }
0x167: {  	s20 =	simm.s32 $0xC880;
	s26 =	simm.s32 $0x4880;
	s25 =	simm.s32 $0x3880  }
0x168: {  	[tilespmem:s28], [sflag:$0x2] =	stream.indirect_vreg.gather [hbm4b:s9+s23], $0x80, v11, vm3, $0xb8;
	[tilespmem:$0x1B080] =	vst v63  }
.LBB2_7:
0x169: {  	_ =	swait.ge [sflag:s5], $0x8000  }
0x16a: {  	s24 =	rddreg [dreg:$0x4]  }
0x16b: {  	[sflag:s5] =	ssyncset.done $0x0;
	s24 =	sadd.s32 s23, s24  }
0x16c: {  	[sflag:s5] =	ssyncadd.s32 $0xFFFF8000;
	s4 =	sadd.s32 $0x3000, s24  }
0x16d: {  	[hbm4b:s4+s3] =	stream.linear.scatter [tilespmem:s11], [sflag:$0x4], $0x8000, $0x38;
	[tilespmem:$0x1B080] =	vst v63  }
0x16e: {  	_ =	swait.ge [sflag:s0], $0x8000  }
0x16f: {  	[sflag:s0] =	ssyncset.done $0x0  }
0x170: {  	[sflag:s0] =	ssyncadd.s32 $0xFFFF8000  }
0x171: {  	v11 =	vld [tilespmem:s2+$0xFFFFFEF0];
	_ =	sdelay $0x4  }
0x172: {  	v12 =	vshll.u32 v11, $0x3  }
0x173: {  	v11 =	vand.u32 $0x7, v11;
	v12 =	vand.u32 $0xFFFFFFC0, v12  }
0x174: {  	v11 =	vor.u32 v11, v12  }
0x175: {  	v12 =	vperm.xlane v11, v8;
	_ =	sdelay $0x1  }
0x176: {  	v12 =	vadd.s32 v9, v12;
	_ =	sdelay $0x4  }
0x177: {  	[tilespmem:s10], [sflag:$0x3] =	stream.indirect_vreg.gather [hbm4b:s1+s3], $0x80, v12, vm3, $0xb8;
	[tilespmem:$0x1B080] =	vst v63  }
0x178: {  	s28 =	simm.s32 $0x13880;
	v11 =	vperm.xlane v11, v10  }
0x179: {  	[tilespmem:s28], [sflag:$0x3] =	stream.indirect_vreg.gather [hbm4b:s7+s3], $0x80, v12, vm3, $0xb8;
	[tilespmem:$0x1B080] =	vst v63  }
0x17a: {  	v11 =	vadd.s32 v9, v11;
	s28 =	simm.s32 $0x14080  }
0x17b: {  	[tilespmem:s28], [sflag:$0x3] =	stream.indirect_vreg.gather [hbm4b:s8+s3], $0x80, v12, vm3, $0xb8;
	[tilespmem:$0x1B080] =	vst v63  }
0x17c: {  	s28 =	simm.s32 $0x14880  }
0x17d: {  	[tilespmem:s28], [sflag:$0x3] =	stream.indirect_vreg.gather [hbm4b:s9+s3], $0x80, v12, vm3, $0xb8;
	[tilespmem:$0x1B080] =	vst v63  }
0x17e: {  	s28 =	simm.s32 $0x15080  }
0x17f: {  	[tilespmem:s28], [sflag:$0x3] =	stream.indirect_vreg.gather [hbm4b:s1+s3], $0x80, v11, vm3, $0xb8;
	[tilespmem:$0x1B080] =	vst v63  }
0x180: {  	s28 =	simm.s32 $0x15880  }
0x181: {  	[tilespmem:s28], [sflag:$0x3] =	stream.indirect_vreg.gather [hbm4b:s7+s3], $0x80, v11, vm3, $0xb8;
	[tilespmem:$0x1B080] =	vst v63  }
0x182: {  	s28 =	simm.s32 $0x16080  }
0x183: {  	[tilespmem:s28], [sflag:$0x3] =	stream.indirect_vreg.gather [hbm4b:s8+s3], $0x80, v11, vm3, $0xb8;
	[tilespmem:$0x1B080] =	vst v63  }
0x184: {  	s28 =	simm.s32 $0x16880  }
0x185: {  	[tilespmem:s28], [sflag:$0x3] =	stream.indirect_vreg.gather [hbm4b:s9+s3], $0x80, v11, vm3, $0xb8;
	[tilespmem:$0x1B080] =	vst v63  }
0x186: {  	v11 =	vld [tilespmem:s2+$0xFFFFFF00];
	_ =	sdelay $0x4  }
0x187: {  	v59 =	vshll.u32 v11, $0x3  }
0x188: {  	v11 =	vand.u32 $0x7, v11;
	v12 =	vand.u32 $0xFFFFFFC0, v59  }
0x189: {  	v11 =	vor.u32 v11, v12  }
0x18a: {  	v12 =	vperm.xlane v11, v8;
	_ =	sdelay $0x1  }
0x18b: {  	v12 =	vadd.s32 v9, v12;
	_ =	sdelay $0x3  }
0x18c: {  	s28 =	simm.s32 $0x17080  }
0x18d: {  	[tilespmem:s28], [sflag:$0x3] =	stream.indirect_vreg.gather [hbm4b:s1+s3], $0x80, v12, vm3, $0xb8;
	[tilespmem:$0x1B080] =	vst v63  }
0x18e: {  	v11 =	vperm.xlane v11, v10;
	s28 =	simm.s32 $0x17880  }
0x18f: {  	[tilespmem:s28], [sflag:$0x3] =	stream.indirect_vreg.gather [hbm4b:s7+s3], $0x80, v12, vm3, $0xb8;
	[tilespmem:$0x1B080] =	vst v63  }
0x190: {  	v11 =	vadd.s32 v9, v11;
	s28 =	simm.s32 $0x18080  }
0x191: {  	[tilespmem:s28], [sflag:$0x3] =	stream.indirect_vreg.gather [hbm4b:s8+s3], $0x80, v12, vm3, $0xb8;
	[tilespmem:$0x1B080] =	vst v63  }
0x192: {  	s28 =	simm.s32 $0x18880  }
0x193: {  	[tilespmem:s28], [sflag:$0x3] =	stream.indirect_vreg.gather [hbm4b:s9+s3], $0x80, v12, vm3, $0xb8;
	[tilespmem:$0x1B080] =	vst v63  }
0x194: {  	s28 =	simm.s32 $0x19080  }
0x195: {  	[tilespmem:s28], [sflag:$0x3] =	stream.indirect_vreg.gather [hbm4b:s1+s3], $0x80, v11, vm3, $0xb8;
	[tilespmem:$0x1B080] =	vst v63  }
0x196: {  	s28 =	simm.s32 $0x19880  }
0x197: {  	[tilespmem:s28], [sflag:$0x3] =	stream.indirect_vreg.gather [hbm4b:s7+s3], $0x80, v11, vm3, $0xb8;
	[tilespmem:$0x1B080] =	vst v63  }
0x198: {  	s28 =	simm.s32 $0x1A080  }
0x199: {  	[tilespmem:s28], [sflag:$0x3] =	stream.indirect_vreg.gather [hbm4b:s8+s3], $0x80, v11, vm3, $0xb8;
	[tilespmem:$0x1B080] =	vst v63  }
0x19a: {  	s28 =	simm.s32 $0x1A880  }
0x19b: {  	[tilespmem:s28], [sflag:$0x3] =	stream.indirect_vreg.gather [hbm4b:s9+s3], $0x80, v11, vm3, $0xb8;
	[tilespmem:$0x1B080] =	vst v63  }
0x19c: {  	_ =	swait.ge [sflag:s12], $0x8000  }
0x19d: {  	[sflag:s12] =	ssyncset.done $0x0  }
0x19e: {  	s28 =	sadd.s32 $0x4000, s24;
	[sflag:s12] =	ssyncadd.s32 $0xFFFF8000  }
0x19f: {  	[hbm4b:s28+s3] =	stream.linear.scatter [tilespmem:s21], [sflag:$0x5], $0x8000, $0x38;
	[tilespmem:$0x1B080] =	vst v63  }
0x1a0: {  	_ =	swait.ge [sflag:s14], $0x8000  }
0x1a1: {  	[sflag:s14] =	ssyncset.done $0x0  }
0x1a2: {  	[sflag:s14] =	ssyncadd.s32 $0xFFFF8000  }
0x1a3: {  	v11 =	vld [tilespmem:s2+$0xFFFFFF70];
	_ =	sdelay $0x4  }
0x1a4: {  	v60 =	vshll.u32 v11, $0x3  }
0x1a5: {  	v11 =	vand.u32 $0x7, v11;
	v12 =	vand.u32 $0xFFFFFFC0, v60  }
0x1a6: {  	v11 =	vor.u32 v11, v12  }
0x1a7: {  	v12 =	vperm.xlane v11, v8;
	_ =	sdelay $0x1  }
0x1a8: {  	v12 =	vadd.s32 v9, v12;
	_ =	sdelay $0x4  }
0x1a9: {  	[tilespmem:s11], [sflag:$0x1] =	stream.indirect_vreg.gather [hbm4b:s1+s3], $0x80, v12, vm3, $0xb8;
	[tilespmem:$0x1B080] =	vst v63  }
0x1aa: {  	v11 =	vperm.xlane v11, v10  }
0x1ab: {  	[tilespmem:s25], [sflag:$0x1] =	stream.indirect_vreg.gather [hbm4b:s7+s3], $0x80, v12, vm3, $0xb8;
	[tilespmem:$0x1B080] =	vst v63  }
0x1ac: {  	s28 =	simm.s32 $0x4080;
	v11 =	vadd.s32 v9, v11  }
0x1ad: {  	[tilespmem:s28], [sflag:$0x1] =	stream.indirect_vreg.gather [hbm4b:s8+s3], $0x80, v12, vm3, $0xb8;
	[tilespmem:$0x1B080] =	vst v63  }
0x1ae: {  	_ = 	snop  }
0x1af: {  	[tilespmem:s26], [sflag:$0x1] =	stream.indirect_vreg.gather [hbm4b:s9+s3], $0x80, v12, vm3, $0xb8;
	[tilespmem:$0x1B080] =	vst v63  }
0x1b0: {  	s28 =	simm.s32 $0x5080  }
0x1b1: {  	[tilespmem:s28], [sflag:$0x1] =	stream.indirect_vreg.gather [hbm4b:s1+s3], $0x80, v11, vm3, $0xb8;
	[tilespmem:$0x1B080] =	vst v63  }
0x1b2: {  	_ = 	snop  }
0x1b3: {  	[tilespmem:s13], [sflag:$0x1] =	stream.indirect_vreg.gather [hbm4b:s7+s3], $0x80, v11, vm3, $0xb8;
	[tilespmem:$0x1B080] =	vst v63  }
0x1b4: {  	s28 =	simm.s32 $0x6080  }
0x1b5: {  	[tilespmem:s28], [sflag:$0x1] =	stream.indirect_vreg.gather [hbm4b:s8+s3], $0x80, v11, vm3, $0xb8;
	[tilespmem:$0x1B080] =	vst v63  }
0x1b6: {  	_ = 	snop  }
0x1b7: {  	[tilespmem:s15], [sflag:$0x1] =	stream.indirect_vreg.gather [hbm4b:s9+s3], $0x80, v11, vm3, $0xb8;
	[tilespmem:$0x1B080] =	vst v63  }
0x1b8: {  	v11 =	vld [tilespmem:s2+$0xFFFFFF80];
	_ =	sdelay $0x4  }
0x1b9: {  	v61 =	vshll.u32 v11, $0x3  }
0x1ba: {  	v11 =	vand.u32 $0x7, v11;
	v12 =	vand.u32 $0xFFFFFFC0, v61  }
0x1bb: {  	v11 =	vor.u32 v11, v12  }
0x1bc: {  	v12 =	vperm.xlane v11, v8;
	_ =	sdelay $0x1  }
0x1bd: {  	v12 =	vadd.s32 v9, v12;
	_ =	sdelay $0x3  }
0x1be: {  	s28 =	simm.s32 $0x7080  }
0x1bf: {  	[tilespmem:s28], [sflag:$0x1] =	stream.indirect_vreg.gather [hbm4b:s1+s3], $0x80, v12, vm3, $0xb8;
	[tilespmem:$0x1B080] =	vst v63  }
0x1c0: {  	v11 =	vperm.xlane v11, v10  }
0x1c1: {  	[tilespmem:s6], [sflag:$0x1] =	stream.indirect_vreg.gather [hbm4b:s7+s3], $0x80, v12, vm3, $0xb8;
	[tilespmem:$0x1B080] =	vst v63  }
0x1c2: {  	v11 =	vadd.s32 v9, v11;
	s28 =	simm.s32 $0x8080  }
0x1c3: {  	[tilespmem:s28], [sflag:$0x1] =	stream.indirect_vreg.gather [hbm4b:s8+s3], $0x80, v12, vm3, $0xb8;
	[tilespmem:$0x1B080] =	vst v63  }
0x1c4: {  	_ = 	snop  }
0x1c5: {  	[tilespmem:s17], [sflag:$0x1] =	stream.indirect_vreg.gather [hbm4b:s9+s3], $0x80, v12, vm3, $0xb8;
	[tilespmem:$0x1B080] =	vst v63  }
0x1c6: {  	_ = 	snop  }
0x1c7: {  	[tilespmem:s30], [sflag:$0x1] =	stream.indirect_vreg.gather [hbm4b:s1+s3], $0x80, v11, vm3, $0xb8;
	[tilespmem:$0x1B080] =	vst v63  }
0x1c8: {  	_ = 	snop  }
0x1c9: {  	[tilespmem:s19], [sflag:$0x1] =	stream.indirect_vreg.gather [hbm4b:s7+s3], $0x80, v11, vm3, $0xb8;
	[tilespmem:$0x1B080] =	vst v63  }
0x1ca: {  	_ = 	snop  }
0x1cb: {  	[tilespmem:s29], [sflag:$0x1] =	stream.indirect_vreg.gather [hbm4b:s8+s3], $0x80, v11, vm3, $0xb8;
	[tilespmem:$0x1B080] =	vst v63  }
0x1cc: {  	s28 =	simm.s32 $0xA880  }
0x1cd: {  	[tilespmem:s28], [sflag:$0x1] =	stream.indirect_vreg.gather [hbm4b:s9+s3], $0x80, v11, vm3, $0xb8;
	[tilespmem:$0x1B080] =	vst v63  }
0x1ce: {  	_ =	swait.ge [sflag:s16], $0x8000  }
0x1cf: {  	[sflag:s16] =	ssyncset.done $0x0  }
0x1d0: {  	s28 =	sadd.s32 $0x5000, s24;
	s24 =	simm.s32 $0x5;
	[sflag:s16] =	ssyncadd.s32 $0xFFFF8000  }
0x1d1: {  	[hbm4b:s28+s3] =	stream.linear.scatter [tilespmem:s10], [sflag:$0x6], $0x8000, $0x38;
	[tilespmem:$0x1B080] =	vst v63  }
0x1d2: {  	_ =	swait.ge [sflag:s24], $0x8000  }
0x1d3: {  	[sflag:s24] =	ssyncset.done $0x0  }
0x1d4: {  	[sflag:s24] =	ssyncadd.s32 $0xFFFF8000  }
0x1d5: {  	v11 =	vld [tilespmem:s2+$0xFFFFFFF0];
	_ =	sdelay $0x4  }
0x1d6: {  	v62 =	vshll.u32 v11, $0x3  }
0x1d7: {  	v11 =	vand.u32 $0x7, v11;
	v12 =	vand.u32 $0xFFFFFFC0, v62  }
0x1d8: {  	v11 =	vor.u32 v11, v12  }
0x1d9: {  	v12 =	vperm.xlane v11, v8;
	_ =	sdelay $0x1  }
0x1da: {  	v12 =	vadd.s32 v9, v12;
	_ =	sdelay $0x4  }
0x1db: {  	[tilespmem:s21], [sflag:$0x2] =	stream.indirect_vreg.gather [hbm4b:s1+s3], $0x80, v12, vm3, $0xb8;
	[tilespmem:$0x1B080] =	vst v63  }
0x1dc: {  	s28 =	simm.s32 $0xB880;
	v11 =	vperm.xlane v11, v10  }
0x1dd: {  	[tilespmem:s28], [sflag:$0x2] =	stream.indirect_vreg.gather [hbm4b:s7+s3], $0x80, v12, vm3, $0xb8;
	[tilespmem:$0x1B080] =	vst v63  }
0x1de: {  	v11 =	vadd.s32 v9, v11;
	s28 =	simm.s32 $0xC080  }
0x1df: {  	[tilespmem:s28], [sflag:$0x2] =	stream.indirect_vreg.gather [hbm4b:s8+s3], $0x80, v12, vm3, $0xb8;
	[tilespmem:$0x1B080] =	vst v63  }
0x1e0: {  	_ = 	snop  }
0x1e1: {  	[tilespmem:s20], [sflag:$0x2] =	stream.indirect_vreg.gather [hbm4b:s9+s3], $0x80, v12, vm3, $0xb8;
	[tilespmem:$0x1B080] =	vst v63  }
0x1e2: {  	_ = 	snop  }
0x1e3: {  	[tilespmem:s31], [sflag:$0x2] =	stream.indirect_vreg.gather [hbm4b:s1+s3], $0x80, v11, vm3, $0xb8;
	[tilespmem:$0x1B080] =	vst v63  }
0x1e4: {  	_ = 	snop  }
0x1e5: {  	[tilespmem:s22], [sflag:$0x2] =	stream.indirect_vreg.gather [hbm4b:s7+s3], $0x80, v11, vm3, $0xb8;
	[tilespmem:$0x1B080] =	vst v63  }
0x1e6: {  	s28 =	simm.s32 $0xE080  }
0x1e7: {  	[tilespmem:s28], [sflag:$0x2] =	stream.indirect_vreg.gather [hbm4b:s8+s3], $0x80, v11, vm3, $0xb8;
	[tilespmem:$0x1B080] =	vst v63  }
0x1e8: {  	s4 =	simm.s32 $0xE880  }
0x1e9: {  	[tilespmem:s4], [sflag:$0x2] =	stream.indirect_vreg.gather [hbm4b:s9+s3], $0x80, v11, vm3, $0xb8;
	[tilespmem:$0x1B080] =	vst v63  }
0x1ea: {  	v11 =	vld [tilespmem:s2+$0x0];
	_ =	sdelay $0x4  }
0x1eb: {  	v63 =	vshll.u32 v11, $0x3  }
0x1ec: {  	v11 =	vand.u32 $0x7, v11;
	v12 =	vand.u32 $0xFFFFFFC0, v63  }
0x1ed: {  	v11 =	vor.u32 v11, v12  }
0x1ee: {  	v12 =	vperm.xlane v11, v8;
	_ =	sdelay $0x1  }
0x1ef: {  	v12 =	vadd.s32 v9, v12;
	_ =	sdelay $0x3  }
0x1f0: {  	s28 =	simm.s32 $0xF080  }
0x1f1: {  	[tilespmem:s28], [sflag:$0x2] =	stream.indirect_vreg.gather [hbm4b:s1+s3], $0x80, v12, vm3, $0xb8;
	[tilespmem:$0x1B080] =	vst v63  }
0x1f2: {  	v11 =	vperm.xlane v11, v10;
	s28 =	simm.s32 $0xF880  }
0x1f3: {  	[tilespmem:s28], [sflag:$0x2] =	stream.indirect_vreg.gather [hbm4b:s7+s3], $0x80, v12, vm3, $0xb8;
	[tilespmem:$0x1B080] =	vst v63  }
0x1f4: {  	v11 =	vadd.s32 v9, v11;
	s28 =	simm.s32 $0x10080  }
0x1f5: {  	[tilespmem:s28], [sflag:$0x2] =	stream.indirect_vreg.gather [hbm4b:s8+s3], $0x80, v12, vm3, $0xb8;
	[tilespmem:$0x1B080] =	vst v63  }
0x1f6: {  	s28 =	simm.s32 $0x10880  }
0x1f7: {  	[tilespmem:s28], [sflag:$0x2] =	stream.indirect_vreg.gather [hbm4b:s9+s3], $0x80, v12, vm3, $0xb8;
	[tilespmem:$0x1B080] =	vst v63  }
0x1f8: {  	s28 =	simm.s32 $0x11080  }
0x1f9: {  	[tilespmem:s28], [sflag:$0x2] =	stream.indirect_vreg.gather [hbm4b:s1+s3], $0x80, v11, vm3, $0xb8;
	[tilespmem:$0x1B080] =	vst v63  }
0x1fa: {  	p1 =	sne.s32 s23, $0x18000;
	s28 =	simm.s32 $0x11880  }
0x1fb: {  	[tilespmem:s28], [sflag:$0x2] =	stream.indirect_vreg.gather [hbm4b:s7+s3], $0x80, v11, vm3, $0xb8;
	[tilespmem:$0x1B080] =	vst v63  }
.Ltmp5:
0x1fc: {  	_ = 	snop;
	(pc) =	sbr.rel @p1 .LBB2_7-.Ltmp5, $4  }
0x1fd: {  	s28 =	simm.s32 $0x12080  }
0x1fe: {  	[tilespmem:s28], [sflag:$0x2] =	stream.indirect_vreg.gather [hbm4b:s8+s3], $0x80, v11, vm3, $0xb8;
	[tilespmem:$0x1B080] =	vst v63  }
0x1ff: {  	s23 =	sadd.s32 $0x3000, s23;
	s2 =	sadd.s32 $0x180, s2;
	s28 =	simm.s32 $0x12880  }
0x200: {  	[tilespmem:s28], [sflag:$0x2] =	stream.indirect_vreg.gather [hbm4b:s9+s3], $0x80, v11, vm3, $0xb8;
	[tilespmem:$0x1B080] =	vst v63  }
0x201: {  	_ =	swait.ge [sflag:s5], $0x8000  }
0x202: {  	[sflag:s5] =	ssyncset.done $0x0  }
0x203: {  	s2 =	rddreg [dreg:$0xb];
	[sflag:s5] =	ssyncadd.s32 $0xFFFF8000  }
0x204: {  	[hbm4b:s2+s3] =	stream.linear.scatter [tilespmem:s11], [sflag:$0x4], $0x8000, $0x38;
	[tilespmem:$0x1B080] =	vst v63  }
0x205: {  	_ =	swait.ge [sflag:s12], $0x8000  }
0x206: {  	[sflag:s12] =	ssyncset.done $0x0  }
0x207: {  	s25 =	rddreg [dreg:$0xc];
	[sflag:s12] =	ssyncadd.s32 $0xFFFF8000  }
0x208: {  	[hbm4b:s25+s3] =	stream.linear.scatter [tilespmem:s21], [sflag:$0x5], $0x8000, $0x38;
	[tilespmem:$0x1B080] =	vst v63  }
0x209: {  	_ =	swait.ge [sflag:s0], $0x8000  }
0x20a: {  	[sflag:s0] =	ssyncset.done $0x0  }
0x20b: {  	[sflag:s0] =	ssyncadd.s32 $0xFFFF8000  }
0x20c: {  	_ =	swait.ge [sflag:s14], $0x8000  }
0x20d: {  	s31 =	simm.s32 $0x5880;
	[sflag:s14] =	ssyncset.done $0x0  }
0x20e: {  	s13 =	simm.s32 $0x6080;
	s20 =	simm.s32 $0x6880;
	[sflag:s14] =	ssyncadd.s32 $0xFFFF8000  }
0x20f: {  	s6 =	simm.s32 $0x7080;
	s15 =	simm.s32 $0x7880;
	_ =	swait.ge [sflag:s24], $0x8000  }
0x210: {  	s16 =	simm.s32 $0x8880;
	s17 =	simm.s32 $0x9080;
	s4 =	rddreg [dreg:$0xe]  }
0x211: {  	s30 =	simm.s32 $0x9880;
	s26 =	rddreg [dreg:$0xd];
	s4 =	sadd.s32 $0x1, s4  }
0x212: {  	s19 =	simm.s32 $0x3080;
	s29 =	simm.s32 $0xA880;
	p1 =	sne.s32 s4, s26  }
.Ltmp6:
0x213: {  	s28 =	simm.s32 $0xB080;
	s22 =	simm.s32 $0xC880;
	(pc) =	sbr.rel @p1 .LBB2_1-.Ltmp6, $4  }
0x214: {  	s10 =	simm.s32 $0xD880;
	s5 =	simm.s32 $0xD080;
	s11 =	simm.s32 $0xA080  }
0x215: {  	s12 =	simm.s32 $0xC080;
	s25 =	simm.s32 $0x4080;
	s21 =	simm.s32 $0x4880  }
0x216: {  	s0 =	simm.s32 $0x8080;
	s14 =	simm.s32 $0xE080;
	[sflag:s24] =	ssyncset.done $0x0  }
0x217: {  	[sflag:s24] =	ssyncadd.s32 $0xFFFF8000;
	s24 =	simm.s32 $0x3880;
	s26 =	simm.s32 $0x5080  }
0x218: {  	_ =	sfence.sel $0x180000  }
0x219: {  	[bflag:$0x0] =	sbarrier.arrive $0xFFFF  }
0x21a: {  	_ =	strace $0x90000047  }
0x21b: {  	s0 =	stileid.u32;
	[bflag:$0x2] =	sbarrier.arrive $0xFFFF  }
0x21c: {  	p0 =	sne.s32 s0, $0x0;
	s0 =	rddreg [dreg:$0x3]  }
0x21d: {  	s0 =	sadd.s32 @!p0 $0x100000, s0  }
0x21e: {  	[sflag:s0] =	ssyncadd.tile.s32 @!p0 $0x1;
	_ =	shalt  }
.Lfunc_end2:
_tile_overlayer_lowered:
.L_overlay_start_2:
0x21f: {  	(tag) =	ssettag $0x2  }
0x220: {  	s0 =	rddreg [dreg:$0x0];
	s2 =	stileid.u32  }
0x221: {  	s1 =	rddreg [dreg:$0x1];
	p0 =	sne.s32 s2, $0x0  }
0x222: {  	s3 =	rddreg [dreg:$0x2];
	[bflag:$0x3] =	sbarrier.arrive $0xFFFF;
	s2 =	simm.s32 @!p0 $0x1C07  }
0x223: {  	[timem:s3], [sflag:s2] =	dma.local @!p0 [hbm:s0], s1  }
0x224: {  	s0 =	simm.s32 @!p0 $0x7  }
0x225: {  	_ =	swait.ge @!p0 [sflag:s0], s1  }
0x226: {  	s1 =	ssub.s32 @!p0 $0x0, s1;
	[sflag:s0] =	ssyncset.done @!p0 $0x0  }
0x227: {  	[sflag:s0] =	ssyncadd.s32 @!p0 s1  }
0x228: {  	[bflag:$0x3] =	sbarrier.arrive $0xFFFF  }
0x229: {  	_ =	shalt  }

</sc_bundles>
